<compile_context>
chip_gen: v7x
topology: tpu7x:2x2x1
jax: 0.10.2.dev20260603
libtpu: 0.0.44.dev20260713+nightly
codegen_flags: <defaults>
</compile_context>

<pallas_src>
import jax
import jax.numpy as jnp
from jax import lax
from jax.experimental import pallas as pl
from jax.experimental.pallas import tpu as pltpu
from jax.experimental.pallas import tpu_sc as plsc

N = 10000
E = 320000
D_IN = 128
H = 256
Z = 64
EPS = 1e-5
NH = N // 2

NC = 2
NS = 16

EPAD = 327680
ERWS = EPAD // 128
TROWS = ERWS // NS
CH = 8
HCH = 4
NCH = TROWS // CH
A1_ROWS = NH + 8
A2_ROWS = N + 16

import functools


@functools.lru_cache(maxsize=1)
def _sc_mesh():
    return plsc.VectorSubcoreMesh(core_axis_name="c", subcore_axis_name="s",
                                  num_cores=NC, num_subcores=NS)


def _zero_acc(zeros_hbm, acc, s, acc_rows):
    zr = (acc_rows // NS) // 8 * 8
    pltpu.sync_copy(zeros_hbm.at[pl.ds(0, zr)], acc.at[pl.ds(s * zr, zr)])

    @pl.when(s == 0)
    def _tail():
        pltpu.sync_copy(zeros_hbm.at[pl.ds(0, acc_rows - NS * zr)],
                        acc.at[pl.ds(NS * zr, acc_rows - NS * zr)])


def _write_acc(acc, out, s, row0, nrows):
    wr = (nrows // NS) // 8 * 8
    pltpu.sync_copy(acc.at[pl.ds(s * wr, wr)],
                    out.at[pl.ds(row0 + s * wr, wr)])

    @pl.when(s == 0)
    def _tail():
        pltpu.sync_copy(acc.at[pl.ds(NS * wr, nrows - NS * wr)],
                        out.at[pl.ds(row0 + NS * wr, nrows - NS * wr)])


def _edge_sweep(src1d, dst1d, table_hbm, idx_s, idx_d, rows, sem, acc,
                src_off0, dst_off0, s, degacc=None, ones_v=None):
    def chunk(g, carry):
        e0 = (s * TROWS + g) * 128
        pltpu.sync_copy(src1d.at[pl.ds(src_off0 + e0, 128)], idx_s)
        pltpu.sync_copy(dst1d.at[pl.ds(dst_off0 + e0, 128)], idx_d)
        pltpu.async_copy(table_hbm.at[idx_s], rows, sem).wait()
        pltpu.sync_copy(rows, acc.at[idx_d], add=True)
        return carry

    lax.fori_loop(0, TROWS, chunk, 0)


def _deg_sweep(dst1d, idx_d, ones_v, acc, dst_off0, s):
    def chunk(g, carry):
        e0 = (s * TROWS + g) * 128
        pltpu.sync_copy(dst1d.at[pl.ds(dst_off0 + e0, 128)], idx_d)
        pltpu.sync_copy(ones_v, acc.at[idx_d], add=True)
        return carry

    lax.fori_loop(0, TROWS, chunk, 0)


def _agg1_body(src1d, dstn1d, x_hbm, zeros_hbm, ones_hbm,
               sums_out, deg_out,
               idx_s, idx_d, rows, ones_v, sem, acc):
    c = lax.axis_index("c")
    s = lax.axis_index("s")
    _zero_acc(zeros_hbm, acc, s, A1_ROWS)
    pltpu.sync_copy(ones_hbm, ones_v)
    plsc.subcore_barrier()
    _edge_sweep(src1d, dstn1d, x_hbm, idx_s, idx_d, rows, sem, acc,
                0, c * EPAD, s)
    plsc.subcore_barrier()
    _write_acc(acc, sums_out, s, c * NH, NH)
    plsc.subcore_barrier()
    _zero_acc(zeros_hbm, acc, s, A1_ROWS)
    plsc.subcore_barrier()
    _deg_sweep(dstn1d, idx_d, ones_v, acc, c * EPAD, s)
    plsc.subcore_barrier()
    _write_acc(acc, deg_out, s, c * NH, NH)


@functools.lru_cache(maxsize=1)
def _agg1():
    return pl.kernel(
        _agg1_body,
        out_type=(jax.ShapeDtypeStruct((N, D_IN), jnp.float32),
                  jax.ShapeDtypeStruct((N, 128), jnp.float32)),
        mesh=_sc_mesh(),
        scratch_types=[
            pltpu.VMEM((128,), jnp.int32),
            pltpu.VMEM((128,), jnp.int32),
            pltpu.VMEM((128, D_IN), jnp.float32),
            pltpu.VMEM((128, 128), jnp.float32),
            pltpu.SemaphoreType.DMA,
            pltpu.VMEM_SHARED((A1_ROWS, D_IN), jnp.float32),
        ],
    )


def _agg2_body(src1d2, dstn1d, h2_hbm, zeros_hbm, sums_out,
               idx_s, idx_d, rows, sem, acc):
    c = lax.axis_index("c")
    s = lax.axis_index("s")
    for p in range(2):
        _zero_acc(zeros_hbm, acc, s, A1_ROWS)
        plsc.subcore_barrier()
        _edge_sweep(src1d2, dstn1d, h2_hbm, idx_s, idx_d, rows, sem, acc,
                    c * EPAD, p * EPAD, s)
        plsc.subcore_barrier()
        _write_acc(acc, sums_out, s, c * N + p * NH, NH)
        plsc.subcore_barrier()


@functools.lru_cache(maxsize=1)
def _agg2():
    return pl.kernel(
        _agg2_body,
        out_type=jax.ShapeDtypeStruct((2 * N, 128), jnp.float32),
        mesh=_sc_mesh(),
        scratch_types=[
            pltpu.VMEM((128,), jnp.int32),
            pltpu.VMEM((128,), jnp.int32),
            pltpu.VMEM((128, 128), jnp.float32),
            pltpu.SemaphoreType.DMA,
            pltpu.VMEM_SHARED((A1_ROWS, 128), jnp.float32),
        ],
    )


def _enc1_body(sums_ref, deg_ref, w_ref, b_ref, g_ref, bt_ref,
               enc_ref, split_ref):
    rdeg = 1.0 / jnp.maximum(deg_ref[:, 0:1], 1.0)
    t = lax.dot_general(sums_ref[...] * rdeg, w_ref[...],
                        (((1,), (0,)), ((), ())),
                        preferred_element_type=jnp.float32)
    t = jnp.tanh(t + b_ref[...])
    mu = jnp.mean(t, axis=0, keepdims=True)
    var = jnp.mean(jnp.square(t - mu), axis=0, keepdims=True)
    e = (t - mu) * lax.rsqrt(var + EPS) * g_ref[...] + bt_ref[...]
    enc_ref[...] = e
    split_ref[0:N, :] = e[:, 0:128]
    split_ref[N:2 * N, :] = e[:, 128:256]


def _enc2_body(sums_ref, deg_ref, w_ref, b_ref, g_ref, bt_ref, enc_ref):
    rdeg = 1.0 / jnp.maximum(deg_ref[:, 0:1], 1.0)
    t = lax.dot_general(sums_ref[0:N, :] * rdeg, w_ref[0:128, :],
                        (((1,), (0,)), ((), ())),
                        preferred_element_type=jnp.float32)
    t += lax.dot_general(sums_ref[N:2 * N, :] * rdeg, w_ref[128:256, :],
                         (((1,), (0,)), ((), ())),
                         preferred_element_type=jnp.float32)
    t = jnp.tanh(t + b_ref[...])
    mu = jnp.mean(t, axis=0, keepdims=True)
    var = jnp.mean(jnp.square(t - mu), axis=0, keepdims=True)
    enc_ref[...] = (t - mu) * lax.rsqrt(var + EPS) * g_ref[...] + bt_ref[...]


BI = 400


def _dstats_body(zb_ref, zt_ref, stat_ref):
    i = pl.program_id(0)

    @pl.when(i == 0)
    def _init():
        stat_ref[...] = jnp.zeros_like(stat_ref)

    logits = lax.dot_general(zb_ref[...], zt_ref[...],
                             (((1,), (0,)), ((), ())),
                             preferred_element_type=jnp.float32)
    sg = jax.nn.sigmoid(logits)
    stat_ref[0:1, :] += jnp.sum(sg, axis=0, keepdims=True)
    stat_ref[1:2, :] += jnp.sum(sg * sg, axis=0, keepdims=True)


def _dnorm_body(zb_ref, zt_ref, stat_ref, g_ref, b_ref, out_ref):
    mu = stat_ref[0:1, :] * (1.0 / N)
    ex2 = stat_ref[1:2, :] * (1.0 / N)
    scale = lax.rsqrt(ex2 - mu * mu + EPS) * g_ref[...]
    logits = lax.dot_general(zb_ref[...], zt_ref[...],
                             (((1,), (0,)), ((), ())),
                             preferred_element_type=jnp.float32)
    sg = jax.nn.sigmoid(logits)
    out_ref[...] = (sg - mu) * scale + b_ref[...]


def _decoder(z, g2d, b2d):
    k = z.shape[1]
    zt = z.T
    stats = pl.pallas_call(
        _dstats_body,
        grid=(N // BI,),
        in_specs=[pl.BlockSpec((BI, k), lambda i: (i, 0)),
                  pl.BlockSpec((k, N), lambda i: (0, 0))],
        out_specs=pl.BlockSpec((8, N), lambda i: (0, 0)),
        out_shape=jax.ShapeDtypeStruct((8, N), jnp.float32),
    )(z, zt)
    return pl.pallas_call(
        _dnorm_body,
        grid=(N // BI,),
        in_specs=[pl.BlockSpec((BI, k), lambda i: (i, 0)),
                  pl.BlockSpec((k, N), lambda i: (0, 0)),
                  pl.BlockSpec((8, N), lambda i: (0, 0)),
                  pl.BlockSpec((1, N), lambda i: (0, 0)),
                  pl.BlockSpec((1, N), lambda i: (0, 0))],
        out_specs=pl.BlockSpec((BI, N), lambda i: (i, 0)),
        out_shape=jax.ShapeDtypeStruct((N, N), jnp.float32),
    )(z, zt, stats, g2d, b2d)


def kernel(x, W1, b1, g1, bt1, W2, b2, g2, bt2, gdec, bdec, edge_index):
    src = edge_index[0]
    dst = edge_index[1]
    pad = EPAD - E
    src_p = jnp.concatenate([src, jnp.zeros((pad,), jnp.int32)])
    dst_p = jnp.concatenate([dst, jnp.full((pad,), N, jnp.int32)])
    d0 = jnp.where(dst_p < NH, dst_p, NH)
    d1c = dst_p - NH
    d1 = jnp.where((d1c >= 0) & (d1c < NH), d1c, NH)
    dstn1d = jnp.concatenate([d0, d1])
    src1d2 = jnp.concatenate([src_p, src_p + N])
    zeros128 = jnp.zeros((624, 128), jnp.float32)
    ones128 = jnp.ones((128, 128), jnp.float32)

    sums1, deg = _agg1()(src_p, dstn1d, x, zeros128, ones128)

    enc1, enc1_split = pl.pallas_call(
        _enc1_body,
        out_shape=(jax.ShapeDtypeStruct((N, H), jnp.float32),
                   jax.ShapeDtypeStruct((2 * N, 128), jnp.float32)),
    )(sums1, deg, W1, b1.reshape(1, H), g1.reshape(1, H), bt1.reshape(1, H))

    sums2 = _agg2()(src1d2, dstn1d, enc1_split, zeros128)

    enc2 = pl.pallas_call(
        _enc2_body,
        out_shape=jax.ShapeDtypeStruct((N, Z), jnp.float32),
    )(sums2, deg, W2, b2.reshape(1, Z), g2.reshape(1, Z), bt2.reshape(1, Z))

    g2d = gdec.reshape(1, N)
    b2d = bdec.reshape(1, N)
    dec1 = _decoder(enc1, g2d, b2d)
    dec2 = _decoder(enc2, g2d, b2d)
    return enc2, dec1, dec2

# --- scband reference (transcript-rebuilt; emitter-appended) ---
"""Pipeline reference for scband-gae-66279935312081 (READ-ONLY COPY).

The authoritative reference and input builder live on the scoring server;
editing this copy changes nothing except your own understanding.
"""

import jax, jax.numpy as jnp
import numpy as np

N = 10000
E = 320000
D_IN = 128
H = 256
Z = 64
EPS = 1e-5


def setup_inputs(seed: int = 0) -> dict:
    key = jax.random.key(seed)
    ks = jax.random.split(key, 8)
    x = jax.random.normal(ks[0], (N, D_IN), dtype=jnp.float32)
    edge_index = jax.random.randint(ks[1], (2, E), 0, N, dtype=jnp.int32)
    W1 = jax.random.normal(ks[2], (D_IN, H), dtype=jnp.float32) * (1.0 / np.sqrt(D_IN))
    b1 = jnp.zeros((H,), jnp.float32)
    g1 = jnp.ones((H,), jnp.float32)
    bt1 = jnp.zeros((H,), jnp.float32)
    W2 = jax.random.normal(ks[3], (H, Z), dtype=jnp.float32) * (1.0 / np.sqrt(H))
    b2 = jnp.zeros((Z,), jnp.float32)
    g2 = jnp.ones((Z,), jnp.float32)
    bt2 = jnp.zeros((Z,), jnp.float32)
    gdec = jnp.ones((N,), jnp.float32)
    bdec = jnp.zeros((N,), jnp.float32)
    return {"x": x, "W1": W1, "b1": b1, "g1": g1, "bt1": bt1,
            "W2": W2, "b2": b2, "g2": g2, "bt2": bt2,
            "gdec": gdec, "bdec": bdec, "edge_index": edge_index}


def _batchnorm(h, gamma, beta):
    # BatchNorm1d in training mode: batch statistics, biased variance
    mu = jnp.mean(h, axis=0)
    var = jnp.var(h, axis=0)
    return (h - mu) / jnp.sqrt(var + EPS) * gamma + beta


def _mean_agg(x, src, dst):
    # gcn_message = copy_src('h'); gcn_mean_reduce = fn.mean -> mean of in-neighbor features
    msg = jnp.take(x, src, axis=0)
    s = jax.ops.segment_sum(msg, dst, num_segments=N)
    deg = jax.ops.segment_sum(jnp.ones((src.shape[0], 1), x.dtype), dst, num_segments=N)
    return s / jnp.maximum(deg, 1.0)


def reference(x, W1, b1, g1, bt1, W2, b2, g2, bt2, gdec, bdec, edge_index):
    src = edge_index[0]
    dst = edge_index[1]
    # EncoderLayer 1: mean-aggregate -> linear -> tanh -> batchnorm (dropout=0)
    h = _mean_agg(x, src, dst)
    h = jnp.tanh(h @ W1 + b1)
    enc1 = _batchnorm(h, g1, bt1)
    # EncoderLayer 2
    h2 = _mean_agg(enc1, src, dst)
    h2 = jnp.tanh(h2 @ W2 + b2)
    enc2 = _batchnorm(h2, g2, bt2)
    # DecoderLayer: sigmoid(z z^T) -> batchnorm over N features (dropout=0)
    dec1 = _batchnorm(jax.nn.sigmoid(enc1 @ enc1.T), gdec, bdec)
    dec2 = _batchnorm(jax.nn.sigmoid(enc2 @ enc2.T), gdec, bdec)
    return (enc2, dec1, dec2)

if __name__ == "__main__":
    import jax
    _d = setup_inputs()
    print(jax.jit(kernel)(*tuple(_d.values())))

</pallas_src>

<mosaic_0001>
#map = affine_map<(d0, d1) -> (0)>
#map1 = affine_map<(d0, d1) -> (0, 0)>
module attributes {stable_mosaic.version = 14 : i64} {
  func.func @_agg2_body(%arg0: i32, %arg1: i32, %arg2: memref<655360xi32, #tpu.memory_space<hbm>>, %arg3: memref<655360xi32, #tpu.memory_space<hbm>>, %arg4: memref<20000x128xf32, #tpu.memory_space<hbm>>, %arg5: memref<624x128xf32, #tpu.memory_space<hbm>>, %arg6: memref<20000x128xf32, #tpu.memory_space<hbm>>, %arg7: memref<128xi32, #tpu.memory_space<vmem>>, %arg8: memref<128xi32, #tpu.memory_space<vmem>>, %arg9: memref<128x128xf32, #tpu.memory_space<vmem>>, %arg10: memref<!tpu.dma_semaphore, #tpu.memory_space<semaphore_mem>>, %arg11: memref<5008x128xf32, #tpu.memory_space<vmem_shared>>) attributes {dimension_semantics = [#tpu.dimension_semantics<core_parallel>, #tpu.dimension_semantics<subcore_parallel>], iteration_bounds = array<i64: 2, 16>, scalar_prefetch = 0 : i64, scratch_operands = 5 : i64, tpu.core_type = #tpu.core_type<sc_vector_subcore>, window_params = [{transform_indices = #map}, {transform_indices = #map}, {transform_indices = #map1}, {transform_indices = #map1}, {transform_indices = #map1}]} {
    %mul3A = arith.constant 312 : i32
    %mul3A_0 = arith.muli %arg1, %mul3A : i32
    "tpu.region"() ({
      %run_scoped3A = tpu.sem_alloc : memref<!tpu.dma_semaphore, #tpu.memory_space<semaphore_mem>>
      %dma_start3A = arith.constant 0 : i32
      %dma_start3A_57 = tpu.memref_slice %arg11[%mul3A_0, %dma_start3A] : memref<5008x128xf32, #tpu.memory_space<vmem_shared>> -> memref<312x128xf32, #tpu.memory_space<vmem_shared>>
      %dma_start3A_58 = arith.constant 0 : i32
      %dma_start3A_59 = arith.constant 0 : i32
      %dma_start3A_60 = tpu.memref_slice %arg5[%dma_start3A_58, %dma_start3A_59] : memref<624x128xf32, #tpu.memory_space<hbm>> -> memref<312x128xf32, #tpu.memory_space<hbm>>
      tpu.enqueue_dma source(%dma_start3A_60 : memref<312x128xf32, #tpu.memory_space<hbm>>) target(%dma_start3A_57 : memref<312x128xf32, #tpu.memory_space<vmem_shared>>) target_semaphore(%run_scoped3A : memref<!tpu.dma_semaphore, #tpu.memory_space<semaphore_mem>>)
      %dma_wait3A = arith.constant 0 : i32
      %dma_wait3A_61 = tpu.memref_slice %arg11[%mul3A_0, %dma_wait3A] : memref<5008x128xf32, #tpu.memory_space<vmem_shared>> -> memref<312x128xf32, #tpu.memory_space<vmem_shared>>
      %dma_wait3A_62 = arith.constant 0 : i32
      %dma_wait3A_63 = arith.constant 0 : i32
      %dma_wait3A_64 = tpu.memref_slice %arg5[%dma_wait3A_62, %dma_wait3A_63] : memref<624x128xf32, #tpu.memory_space<hbm>> -> memref<312x128xf32, #tpu.memory_space<hbm>>
      tpu.wait_dma2 semaphore(%run_scoped3A : memref<!tpu.dma_semaphore, #tpu.memory_space<semaphore_mem>>) src(%dma_wait3A_64 : memref<312x128xf32, #tpu.memory_space<hbm>>) dst(%dma_wait3A_61 : memref<312x128xf32, #tpu.memory_space<vmem_shared>>)
      tpu.yield
    }) : () -> ()
    %eq3A = arith.constant 0 : i32
    %eq3A_1 = arith.cmpi eq, %arg1, %eq3A : i32
    %convert_element_type3A = arith.extui %eq3A_1 : i1 to i32
    %cond3A = arith.constant 0 : i32
    %cond3A_2 = arith.cmpi ne, %convert_element_type3A, %cond3A : i32
    scf.if %cond3A_2 {
      "tpu.region"() ({
        %run_scoped3A = tpu.sem_alloc : memref<!tpu.dma_semaphore, #tpu.memory_space<semaphore_mem>>
        %dma_start3A = arith.constant 4992 : i32
        %dma_start3A_57 = arith.constant 0 : i32
        %dma_start3A_58 = tpu.memref_slice %arg11[%dma_start3A, %dma_start3A_57] : memref<5008x128xf32, #tpu.memory_space<vmem_shared>> -> memref<16x128xf32, #tpu.memory_space<vmem_shared>>
        %dma_start3A_59 = arith.constant 0 : i32
        %dma_start3A_60 = arith.constant 0 : i32
        %dma_start3A_61 = tpu.memref_slice %arg5[%dma_start3A_59, %dma_start3A_60] : memref<624x128xf32, #tpu.memory_space<hbm>> -> memref<16x128xf32, #tpu.memory_space<hbm>>
        tpu.enqueue_dma source(%dma_start3A_61 : memref<16x128xf32, #tpu.memory_space<hbm>>) target(%dma_start3A_58 : memref<16x128xf32, #tpu.memory_space<vmem_shared>>) target_semaphore(%run_scoped3A : memref<!tpu.dma_semaphore, #tpu.memory_space<semaphore_mem>>)
        %dma_wait3A = arith.constant 4992 : i32
        %dma_wait3A_62 = arith.constant 0 : i32
        %dma_wait3A_63 = tpu.memref_slice %arg11[%dma_wait3A, %dma_wait3A_62] : memref<5008x128xf32, #tpu.memory_space<vmem_shared>> -> memref<16x128xf32, #tpu.memory_space<vmem_shared>>
        %dma_wait3A_64 = arith.constant 0 : i32
        %dma_wait3A_65 = arith.constant 0 : i32
        %dma_wait3A_66 = tpu.memref_slice %arg5[%dma_wait3A_64, %dma_wait3A_65] : memref<624x128xf32, #tpu.memory_space<hbm>> -> memref<16x128xf32, #tpu.memory_space<hbm>>
        tpu.wait_dma2 semaphore(%run_scoped3A : memref<!tpu.dma_semaphore, #tpu.memory_space<semaphore_mem>>) src(%dma_wait3A_66 : memref<16x128xf32, #tpu.memory_space<hbm>>) dst(%dma_wait3A_63 : memref<16x128xf32, #tpu.memory_space<vmem_shared>>)
        tpu.yield
      }) : () -> ()
    } else {
    }
    %barrier3A = arith.constant 0 : index
    tpu.barrier barrier_id(%barrier3A)
    %mul3A_3 = arith.constant 327680 : i32
    %mul3A_4 = arith.muli %arg0, %mul3A_3 : i32
    %scan3A = arith.constant 0 : i32
    %scan3A_5 = arith.constant 0 : i32
    %scan3A_6 = arith.constant 160 : i32
    %scan3A_7 = arith.addi %scan3A_5, %scan3A_6 : i32
    %scan3A_8 = arith.constant 1 : i32
    scf.for %scan3A_57 = %scan3A_5 to %scan3A_7 step %scan3A_8  : i32 {
      %mul3A_58 = arith.constant 160 : i32
      %mul3A_59 = arith.muli %arg1, %mul3A_58 : i32
      %add3A_60 = arith.addi %mul3A_59, %scan3A_57 : i32
      %mul3A_61 = arith.constant 128 : i32
      %mul3A_62 = arith.muli %add3A_60, %mul3A_61 : i32
      %add3A_63 = arith.addi %mul3A_4, %mul3A_62 : i32
      "tpu.region"() ({
        %run_scoped3A = tpu.sem_alloc : memref<!tpu.dma_semaphore, #tpu.memory_space<semaphore_mem>>
        %dma_start3A_70 = tpu.memref_slice %arg2[%add3A_63] : memref<655360xi32, #tpu.memory_space<hbm>> -> memref<128xi32, #tpu.memory_space<hbm>>
        %dma_start3A_71 = tpu.memref_slice %arg2[%add3A_63] : memref<655360xi32, #tpu.memory_space<hbm>> -> memref<128xi32, #tpu.memory_space<hbm>>
        tpu.enqueue_dma source(%dma_start3A_71 : memref<128xi32, #tpu.memory_space<hbm>>) target(%arg7 : memref<128xi32, #tpu.memory_space<vmem>>) target_semaphore(%run_scoped3A : memref<!tpu.dma_semaphore, #tpu.memory_space<semaphore_mem>>)
        %dma_wait3A_72 = tpu.memref_slice %arg2[%add3A_63] : memref<655360xi32, #tpu.memory_space<hbm>> -> memref<128xi32, #tpu.memory_space<hbm>>
        %dma_wait3A_73 = tpu.memref_slice %arg2[%add3A_63] : memref<655360xi32, #tpu.memory_space<hbm>> -> memref<128xi32, #tpu.memory_space<hbm>>
        tpu.wait_dma2 semaphore(%run_scoped3A : memref<!tpu.dma_semaphore, #tpu.memory_space<semaphore_mem>>) src(%dma_wait3A_73 : memref<128xi32, #tpu.memory_space<hbm>>) dst(%arg7 : memref<128xi32, #tpu.memory_space<vmem>>)
        tpu.yield
      }) : () -> ()
      %add3A_64 = arith.constant 0 : i32
      %add3A_65 = arith.addi %add3A_64, %mul3A_62 : i32
      "tpu.region"() ({
        %run_scoped3A = tpu.sem_alloc : memref<!tpu.dma_semaphore, #tpu.memory_space<semaphore_mem>>
        %dma_start3A_70 = tpu.memref_slice %arg3[%add3A_65] : memref<655360xi32, #tpu.memory_space<hbm>> -> memref<128xi32, #tpu.memory_space<hbm>>
        %dma_start3A_71 = tpu.memref_slice %arg3[%add3A_65] : memref<655360xi32, #tpu.memory_space<hbm>> -> memref<128xi32, #tpu.memory_space<hbm>>
        tpu.enqueue_dma source(%dma_start3A_71 : memref<128xi32, #tpu.memory_space<hbm>>) target(%arg8 : memref<128xi32, #tpu.memory_space<vmem>>) target_semaphore(%run_scoped3A : memref<!tpu.dma_semaphore, #tpu.memory_space<semaphore_mem>>)
        %dma_wait3A_72 = tpu.memref_slice %arg3[%add3A_65] : memref<655360xi32, #tpu.memory_space<hbm>> -> memref<128xi32, #tpu.memory_space<hbm>>
        %dma_wait3A_73 = tpu.memref_slice %arg3[%add3A_65] : memref<655360xi32, #tpu.memory_space<hbm>> -> memref<128xi32, #tpu.memory_space<hbm>>
        tpu.wait_dma2 semaphore(%run_scoped3A : memref<!tpu.dma_semaphore, #tpu.memory_space<semaphore_mem>>) src(%dma_wait3A_73 : memref<128xi32, #tpu.memory_space<hbm>>) dst(%arg8 : memref<128xi32, #tpu.memory_space<vmem>>)
        tpu.yield
      }) : () -> ()
      %dma_start3A = arith.constant 0 : i32
      %dma_start3A_66 = arith.constant 0 : i32
      %dma_start3A_67 = tpu.memref_slice %arg4[%dma_start3A, %dma_start3A_66] : memref<20000x128xf32, #tpu.memory_space<hbm>> -> memref<20000x128xf32, #tpu.memory_space<hbm>>
      tpu.enqueue_indirect_dma source(%dma_start3A_67 : memref<20000x128xf32, #tpu.memory_space<hbm>>) target(%arg9 : memref<128x128xf32, #tpu.memory_space<vmem>>) offsets(%arg7 : memref<128xi32, #tpu.memory_space<vmem>>) semaphore(%arg10 : memref<!tpu.dma_semaphore, #tpu.memory_space<semaphore_mem>>)
      %dma_wait3A = arith.constant 0 : i32
      %dma_wait3A_68 = arith.constant 0 : i32
      %dma_wait3A_69 = tpu.memref_slice %arg4[%dma_wait3A, %dma_wait3A_68] : memref<20000x128xf32, #tpu.memory_space<hbm>> -> memref<20000x128xf32, #tpu.memory_space<hbm>>
      tpu.wait_indirect_dma semaphore(%arg10 : memref<!tpu.dma_semaphore, #tpu.memory_space<semaphore_mem>>) src(%dma_wait3A_69 : memref<20000x128xf32, #tpu.memory_space<hbm>>) dst(%arg9 : memref<128x128xf32, #tpu.memory_space<vmem>>)
      "tpu.region"() ({
        %run_scoped3A = tpu.sem_alloc : memref<!tpu.dma_semaphore, #tpu.memory_space<semaphore_mem>>
        %dma_start3A_70 = arith.constant 0 : i32
        %dma_start3A_71 = arith.constant 0 : i32
        %dma_start3A_72 = tpu.memref_slice %arg11[%dma_start3A_70, %dma_start3A_71] : memref<5008x128xf32, #tpu.memory_space<vmem_shared>> -> memref<5008x128xf32, #tpu.memory_space<vmem_shared>>
        tpu.enqueue_indirect_dma source(%arg9 : memref<128x128xf32, #tpu.memory_space<vmem>>) target(%dma_start3A_72 : memref<5008x128xf32, #tpu.memory_space<vmem_shared>>) offsets(%arg8 : memref<128xi32, #tpu.memory_space<vmem>>) semaphore(%run_scoped3A : memref<!tpu.dma_semaphore, #tpu.memory_space<semaphore_mem>>) {add = true}
        %dma_wait3A_73 = arith.constant 0 : i32
        %dma_wait3A_74 = arith.constant 0 : i32
        %dma_wait3A_75 = tpu.memref_slice %arg11[%dma_wait3A_73, %dma_wait3A_74] : memref<5008x128xf32, #tpu.memory_space<vmem_shared>> -> memref<5008x128xf32, #tpu.memory_space<vmem_shared>>
        tpu.wait_indirect_dma semaphore(%run_scoped3A : memref<!tpu.dma_semaphore, #tpu.memory_space<semaphore_mem>>) src(%arg9 : memref<128x128xf32, #tpu.memory_space<vmem>>) dst(%dma_wait3A_75 : memref<5008x128xf32, #tpu.memory_space<vmem_shared>>)
        tpu.yield
      }) : () -> ()
    }
    %scan3A_9 = arith.constant 160 : i32
    %barrier3A_10 = arith.constant 0 : index
    tpu.barrier barrier_id(%barrier3A_10)
    %mul3A_11 = arith.constant 10000 : i32
    %mul3A_12 = arith.muli %arg0, %mul3A_11 : i32
    %add3A = arith.constant 0 : i32
    %add3A_13 = arith.addi %mul3A_12, %add3A : i32
    %mul3A_14 = arith.constant 312 : i32
    %mul3A_15 = arith.muli %arg1, %mul3A_14 : i32
    %mul3A_16 = arith.constant 312 : i32
    %mul3A_17 = arith.muli %arg1, %mul3A_16 : i32
    %add3A_18 = arith.addi %add3A_13, %mul3A_17 : i32
    "tpu.region"() ({
      %run_scoped3A = tpu.sem_alloc : memref<!tpu.dma_semaphore, #tpu.memory_space<semaphore_mem>>
      %dma_start3A = arith.constant 0 : i32
      %dma_start3A_57 = tpu.memref_slice %arg6[%add3A_18, %dma_start3A] : memref<20000x128xf32, #tpu.memory_space<hbm>> -> memref<312x128xf32, #tpu.memory_space<hbm>>
      %dma_start3A_58 = arith.constant 0 : i32
      %dma_start3A_59 = tpu.memref_slice %arg11[%mul3A_15, %dma_start3A_58] : memref<5008x128xf32, #tpu.memory_space<vmem_shared>> -> memref<312x128xf32, #tpu.memory_space<vmem_shared>>
      tpu.enqueue_dma source(%dma_start3A_59 : memref<312x128xf32, #tpu.memory_space<vmem_shared>>) target(%dma_start3A_57 : memref<312x128xf32, #tpu.memory_space<hbm>>) target_semaphore(%run_scoped3A : memref<!tpu.dma_semaphore, #tpu.memory_space<semaphore_mem>>)
      %dma_wait3A = arith.constant 0 : i32
      %dma_wait3A_60 = tpu.memref_slice %arg6[%add3A_18, %dma_wait3A] : memref<20000x128xf32, #tpu.memory_space<hbm>> -> memref<312x128xf32, #tpu.memory_space<hbm>>
      %dma_wait3A_61 = arith.constant 0 : i32
      %dma_wait3A_62 = tpu.memref_slice %arg11[%mul3A_15, %dma_wait3A_61] : memref<5008x128xf32, #tpu.memory_space<vmem_shared>> -> memref<312x128xf32, #tpu.memory_space<vmem_shared>>
      tpu.wait_dma2 semaphore(%run_scoped3A : memref<!tpu.dma_semaphore, #tpu.memory_space<semaphore_mem>>) src(%dma_wait3A_62 : memref<312x128xf32, #tpu.memory_space<vmem_shared>>) dst(%dma_wait3A_60 : memref<312x128xf32, #tpu.memory_space<hbm>>)
      tpu.yield
    }) : () -> ()
    %eq3A_19 = arith.constant 0 : i32
    %eq3A_20 = arith.cmpi eq, %arg1, %eq3A_19 : i32
    %convert_element_type3A_21 = arith.extui %eq3A_20 : i1 to i32
    %cond3A_22 = arith.constant 0 : i32
    %cond3A_23 = arith.cmpi ne, %convert_element_type3A_21, %cond3A_22 : i32
    scf.if %cond3A_23 {
      %add3A_57 = arith.constant 4992 : i32
      %add3A_58 = arith.addi %add3A_13, %add3A_57 : i32
      "tpu.region"() ({
        %run_scoped3A = tpu.sem_alloc : memref<!tpu.dma_semaphore, #tpu.memory_space<semaphore_mem>>
        %dma_start3A = arith.constant 0 : i32
        %dma_start3A_59 = tpu.memref_slice %arg6[%add3A_58, %dma_start3A] : memref<20000x128xf32, #tpu.memory_space<hbm>> -> memref<8x128xf32, #tpu.memory_space<hbm>>
        %dma_start3A_60 = arith.constant 4992 : i32
        %dma_start3A_61 = arith.constant 0 : i32
        %dma_start3A_62 = tpu.memref_slice %arg11[%dma_start3A_60, %dma_start3A_61] : memref<5008x128xf32, #tpu.memory_space<vmem_shared>> -> memref<8x128xf32, #tpu.memory_space<vmem_shared>>
        tpu.enqueue_dma source(%dma_start3A_62 : memref<8x128xf32, #tpu.memory_space<vmem_shared>>) target(%dma_start3A_59 : memref<8x128xf32, #tpu.memory_space<hbm>>) target_semaphore(%run_scoped3A : memref<!tpu.dma_semaphore, #tpu.memory_space<semaphore_mem>>)
        %dma_wait3A = arith.constant 0 : i32
        %dma_wait3A_63 = tpu.memref_slice %arg6[%add3A_58, %dma_wait3A] : memref<20000x128xf32, #tpu.memory_space<hbm>> -> memref<8x128xf32, #tpu.memory_space<hbm>>
        %dma_wait3A_64 = arith.constant 4992 : i32
        %dma_wait3A_65 = arith.constant 0 : i32
        %dma_wait3A_66 = tpu.memref_slice %arg11[%dma_wait3A_64, %dma_wait3A_65] : memref<5008x128xf32, #tpu.memory_space<vmem_shared>> -> memref<8x128xf32, #tpu.memory_space<vmem_shared>>
        tpu.wait_dma2 semaphore(%run_scoped3A : memref<!tpu.dma_semaphore, #tpu.memory_space<semaphore_mem>>) src(%dma_wait3A_66 : memref<8x128xf32, #tpu.memory_space<vmem_shared>>) dst(%dma_wait3A_63 : memref<8x128xf32, #tpu.memory_space<hbm>>)
        tpu.yield
      }) : () -> ()
    } else {
    }
    %barrier3A_24 = arith.constant 0 : index
    tpu.barrier barrier_id(%barrier3A_24)
    %mul3A_25 = arith.constant 312 : i32
    %mul3A_26 = arith.muli %arg1, %mul3A_25 : i32
    "tpu.region"() ({
      %run_scoped3A = tpu.sem_alloc : memref<!tpu.dma_semaphore, #tpu.memory_space<semaphore_mem>>
      %dma_start3A = arith.constant 0 : i32
      %dma_start3A_57 = tpu.memref_slice %arg11[%mul3A_26, %dma_start3A] : memref<5008x128xf32, #tpu.memory_space<vmem_shared>> -> memref<312x128xf32, #tpu.memory_space<vmem_shared>>
      %dma_start3A_58 = arith.constant 0 : i32
      %dma_start3A_59 = arith.constant 0 : i32
      %dma_start3A_60 = tpu.memref_slice %arg5[%dma_start3A_58, %dma_start3A_59] : memref<624x128xf32, #tpu.memory_space<hbm>> -> memref<312x128xf32, #tpu.memory_space<hbm>>
      tpu.enqueue_dma source(%dma_start3A_60 : memref<312x128xf32, #tpu.memory_space<hbm>>) target(%dma_start3A_57 : memref<312x128xf32, #tpu.memory_space<vmem_shared>>) target_semaphore(%run_scoped3A : memref<!tpu.dma_semaphore, #tpu.memory_space<semaphore_mem>>)
      %dma_wait3A = arith.constant 0 : i32
      %dma_wait3A_61 = tpu.memref_slice %arg11[%mul3A_26, %dma_wait3A] : memref<5008x128xf32, #tpu.memory_space<vmem_shared>> -> memref<312x128xf32, #tpu.memory_space<vmem_shared>>
      %dma_wait3A_62 = arith.constant 0 : i32
      %dma_wait3A_63 = arith.constant 0 : i32
      %dma_wait3A_64 = tpu.memref_slice %arg5[%dma_wait3A_62, %dma_wait3A_63] : memref<624x128xf32, #tpu.memory_space<hbm>> -> memref<312x128xf32, #tpu.memory_space<hbm>>
      tpu.wait_dma2 semaphore(%run_scoped3A : memref<!tpu.dma_semaphore, #tpu.memory_space<semaphore_mem>>) src(%dma_wait3A_64 : memref<312x128xf32, #tpu.memory_space<hbm>>) dst(%dma_wait3A_61 : memref<312x128xf32, #tpu.memory_space<vmem_shared>>)
      tpu.yield
    }) : () -> ()
    %eq3A_27 = arith.constant 0 : i32
    %eq3A_28 = arith.cmpi eq, %arg1, %eq3A_27 : i32
    %convert_element_type3A_29 = arith.extui %eq3A_28 : i1 to i32
    %cond3A_30 = arith.constant 0 : i32
    %cond3A_31 = arith.cmpi ne, %convert_element_type3A_29, %cond3A_30 : i32
    scf.if %cond3A_31 {
      "tpu.region"() ({
        %run_scoped3A = tpu.sem_alloc : memref<!tpu.dma_semaphore, #tpu.memory_space<semaphore_mem>>
        %dma_start3A = arith.constant 4992 : i32
        %dma_start3A_57 = arith.constant 0 : i32
        %dma_start3A_58 = tpu.memref_slice %arg11[%dma_start3A, %dma_start3A_57] : memref<5008x128xf32, #tpu.memory_space<vmem_shared>> -> memref<16x128xf32, #tpu.memory_space<vmem_shared>>
        %dma_start3A_59 = arith.constant 0 : i32
        %dma_start3A_60 = arith.constant 0 : i32
        %dma_start3A_61 = tpu.memref_slice %arg5[%dma_start3A_59, %dma_start3A_60] : memref<624x128xf32, #tpu.memory_space<hbm>> -> memref<16x128xf32, #tpu.memory_space<hbm>>
        tpu.enqueue_dma source(%dma_start3A_61 : memref<16x128xf32, #tpu.memory_space<hbm>>) target(%dma_start3A_58 : memref<16x128xf32, #tpu.memory_space<vmem_shared>>) target_semaphore(%run_scoped3A : memref<!tpu.dma_semaphore, #tpu.memory_space<semaphore_mem>>)
        %dma_wait3A = arith.constant 4992 : i32
        %dma_wait3A_62 = arith.constant 0 : i32
        %dma_wait3A_63 = tpu.memref_slice %arg11[%dma_wait3A, %dma_wait3A_62] : memref<5008x128xf32, #tpu.memory_space<vmem_shared>> -> memref<16x128xf32, #tpu.memory_space<vmem_shared>>
        %dma_wait3A_64 = arith.constant 0 : i32
        %dma_wait3A_65 = arith.constant 0 : i32
        %dma_wait3A_66 = tpu.memref_slice %arg5[%dma_wait3A_64, %dma_wait3A_65] : memref<624x128xf32, #tpu.memory_space<hbm>> -> memref<16x128xf32, #tpu.memory_space<hbm>>
        tpu.wait_dma2 semaphore(%run_scoped3A : memref<!tpu.dma_semaphore, #tpu.memory_space<semaphore_mem>>) src(%dma_wait3A_66 : memref<16x128xf32, #tpu.memory_space<hbm>>) dst(%dma_wait3A_63 : memref<16x128xf32, #tpu.memory_space<vmem_shared>>)
        tpu.yield
      }) : () -> ()
    } else {
    }
    %barrier3A_32 = arith.constant 0 : index
    tpu.barrier barrier_id(%barrier3A_32)
    %mul3A_33 = arith.constant 327680 : i32
    %mul3A_34 = arith.muli %arg0, %mul3A_33 : i32
    %scan3A_35 = arith.constant 0 : i32
    %scan3A_36 = arith.constant 0 : i32
    %scan3A_37 = arith.constant 160 : i32
    %scan3A_38 = arith.addi %scan3A_36, %scan3A_37 : i32
    %scan3A_39 = arith.constant 1 : i32
    scf.for %scan3A_57 = %scan3A_36 to %scan3A_38 step %scan3A_39  : i32 {
      %mul3A_58 = arith.constant 160 : i32
      %mul3A_59 = arith.muli %arg1, %mul3A_58 : i32
      %add3A_60 = arith.addi %mul3A_59, %scan3A_57 : i32
      %mul3A_61 = arith.constant 128 : i32
      %mul3A_62 = arith.muli %add3A_60, %mul3A_61 : i32
      %add3A_63 = arith.addi %mul3A_34, %mul3A_62 : i32
      "tpu.region"() ({
        %run_scoped3A = tpu.sem_alloc : memref<!tpu.dma_semaphore, #tpu.memory_space<semaphore_mem>>
        %dma_start3A_70 = tpu.memref_slice %arg2[%add3A_63] : memref<655360xi32, #tpu.memory_space<hbm>> -> memref<128xi32, #tpu.memory_space<hbm>>
        %dma_start3A_71 = tpu.memref_slice %arg2[%add3A_63] : memref<655360xi32, #tpu.memory_space<hbm>> -> memref<128xi32, #tpu.memory_space<hbm>>
        tpu.enqueue_dma source(%dma_start3A_71 : memref<128xi32, #tpu.memory_space<hbm>>) target(%arg7 : memref<128xi32, #tpu.memory_space<vmem>>) target_semaphore(%run_scoped3A : memref<!tpu.dma_semaphore, #tpu.memory_space<semaphore_mem>>)
        %dma_wait3A_72 = tpu.memref_slice %arg2[%add3A_63] : memref<655360xi32, #tpu.memory_space<hbm>> -> memref<128xi32, #tpu.memory_space<hbm>>
        %dma_wait3A_73 = tpu.memref_slice %arg2[%add3A_63] : memref<655360xi32, #tpu.memory_space<hbm>> -> memref<128xi32, #tpu.memory_space<hbm>>
        tpu.wait_dma2 semaphore(%run_scoped3A : memref<!tpu.dma_semaphore, #tpu.memory_space<semaphore_mem>>) src(%dma_wait3A_73 : memref<128xi32, #tpu.memory_space<hbm>>) dst(%arg7 : memref<128xi32, #tpu.memory_space<vmem>>)
        tpu.yield
      }) : () -> ()
      %add3A_64 = arith.constant 327680 : i32
      %add3A_65 = arith.addi %add3A_64, %mul3A_62 : i32
      "tpu.region"() ({
        %run_scoped3A = tpu.sem_alloc : memref<!tpu.dma_semaphore, #tpu.memory_space<semaphore_mem>>
        %dma_start3A_70 = tpu.memref_slice %arg3[%add3A_65] : memref<655360xi32, #tpu.memory_space<hbm>> -> memref<128xi32, #tpu.memory_space<hbm>>
        %dma_start3A_71 = tpu.memref_slice %arg3[%add3A_65] : memref<655360xi32, #tpu.memory_space<hbm>> -> memref<128xi32, #tpu.memory_space<hbm>>
        tpu.enqueue_dma source(%dma_start3A_71 : memref<128xi32, #tpu.memory_space<hbm>>) target(%arg8 : memref<128xi32, #tpu.memory_space<vmem>>) target_semaphore(%run_scoped3A : memref<!tpu.dma_semaphore, #tpu.memory_space<semaphore_mem>>)
        %dma_wait3A_72 = tpu.memref_slice %arg3[%add3A_65] : memref<655360xi32, #tpu.memory_space<hbm>> -> memref<128xi32, #tpu.memory_space<hbm>>
        %dma_wait3A_73 = tpu.memref_slice %arg3[%add3A_65] : memref<655360xi32, #tpu.memory_space<hbm>> -> memref<128xi32, #tpu.memory_space<hbm>>
        tpu.wait_dma2 semaphore(%run_scoped3A : memref<!tpu.dma_semaphore, #tpu.memory_space<semaphore_mem>>) src(%dma_wait3A_73 : memref<128xi32, #tpu.memory_space<hbm>>) dst(%arg8 : memref<128xi32, #tpu.memory_space<vmem>>)
        tpu.yield
      }) : () -> ()
      %dma_start3A = arith.constant 0 : i32
      %dma_start3A_66 = arith.constant 0 : i32
      %dma_start3A_67 = tpu.memref_slice %arg4[%dma_start3A, %dma_start3A_66] : memref<20000x128xf32, #tpu.memory_space<hbm>> -> memref<20000x128xf32, #tpu.memory_space<hbm>>
      tpu.enqueue_indirect_dma source(%dma_start3A_67 : memref<20000x128xf32, #tpu.memory_space<hbm>>) target(%arg9 : memref<128x128xf32, #tpu.memory_space<vmem>>) offsets(%arg7 : memref<128xi32, #tpu.memory_space<vmem>>) semaphore(%arg10 : memref<!tpu.dma_semaphore, #tpu.memory_space<semaphore_mem>>)
      %dma_wait3A = arith.constant 0 : i32
      %dma_wait3A_68 = arith.constant 0 : i32
      %dma_wait3A_69 = tpu.memref_slice %arg4[%dma_wait3A, %dma_wait3A_68] : memref<20000x128xf32, #tpu.memory_space<hbm>> -> memref<20000x128xf32, #tpu.memory_space<hbm>>
      tpu.wait_indirect_dma semaphore(%arg10 : memref<!tpu.dma_semaphore, #tpu.memory_space<semaphore_mem>>) src(%dma_wait3A_69 : memref<20000x128xf32, #tpu.memory_space<hbm>>) dst(%arg9 : memref<128x128xf32, #tpu.memory_space<vmem>>)
      "tpu.region"() ({
        %run_scoped3A = tpu.sem_alloc : memref<!tpu.dma_semaphore, #tpu.memory_space<semaphore_mem>>
        %dma_start3A_70 = arith.constant 0 : i32
        %dma_start3A_71 = arith.constant 0 : i32
        %dma_start3A_72 = tpu.memref_slice %arg11[%dma_start3A_70, %dma_start3A_71] : memref<5008x128xf32, #tpu.memory_space<vmem_shared>> -> memref<5008x128xf32, #tpu.memory_space<vmem_shared>>
        tpu.enqueue_indirect_dma source(%arg9 : memref<128x128xf32, #tpu.memory_space<vmem>>) target(%dma_start3A_72 : memref<5008x128xf32, #tpu.memory_space<vmem_shared>>) offsets(%arg8 : memref<128xi32, #tpu.memory_space<vmem>>) semaphore(%run_scoped3A : memref<!tpu.dma_semaphore, #tpu.memory_space<semaphore_mem>>) {add = true}
        %dma_wait3A_73 = arith.constant 0 : i32
        %dma_wait3A_74 = arith.constant 0 : i32
        %dma_wait3A_75 = tpu.memref_slice %arg11[%dma_wait3A_73, %dma_wait3A_74] : memref<5008x128xf32, #tpu.memory_space<vmem_shared>> -> memref<5008x128xf32, #tpu.memory_space<vmem_shared>>
        tpu.wait_indirect_dma semaphore(%run_scoped3A : memref<!tpu.dma_semaphore, #tpu.memory_space<semaphore_mem>>) src(%arg9 : memref<128x128xf32, #tpu.memory_space<vmem>>) dst(%dma_wait3A_75 : memref<5008x128xf32, #tpu.memory_space<vmem_shared>>)
        tpu.yield
      }) : () -> ()
    }
    %scan3A_40 = arith.constant 160 : i32
    %barrier3A_41 = arith.constant 0 : index
    tpu.barrier barrier_id(%barrier3A_41)
    %mul3A_42 = arith.constant 10000 : i32
    %mul3A_43 = arith.muli %arg0, %mul3A_42 : i32
    %add3A_44 = arith.constant 5000 : i32
    %add3A_45 = arith.addi %mul3A_43, %add3A_44 : i32
    %mul3A_46 = arith.constant 312 : i32
    %mul3A_47 = arith.muli %arg1, %mul3A_46 : i32
    %mul3A_48 = arith.constant 312 : i32
    %mul3A_49 = arith.muli %arg1, %mul3A_48 : i32
    %add3A_50 = arith.addi %add3A_45, %mul3A_49 : i32
    "tpu.region"() ({
      %run_scoped3A = tpu.sem_alloc : memref<!tpu.dma_semaphore, #tpu.memory_space<semaphore_mem>>
      %dma_start3A = arith.constant 0 : i32
      %dma_start3A_57 = tpu.memref_slice %arg6[%add3A_50, %dma_start3A] : memref<20000x128xf32, #tpu.memory_space<hbm>> -> memref<312x128xf32, #tpu.memory_space<hbm>>
      %dma_start3A_58 = arith.constant 0 : i32
      %dma_start3A_59 = tpu.memref_slice %arg11[%mul3A_47, %dma_start3A_58] : memref<5008x128xf32, #tpu.memory_space<vmem_shared>> -> memref<312x128xf32, #tpu.memory_space<vmem_shared>>
      tpu.enqueue_dma source(%dma_start3A_59 : memref<312x128xf32, #tpu.memory_space<vmem_shared>>) target(%dma_start3A_57 : memref<312x128xf32, #tpu.memory_space<hbm>>) target_semaphore(%run_scoped3A : memref<!tpu.dma_semaphore, #tpu.memory_space<semaphore_mem>>)
      %dma_wait3A = arith.constant 0 : i32
      %dma_wait3A_60 = tpu.memref_slice %arg6[%add3A_50, %dma_wait3A] : memref<20000x128xf32, #tpu.memory_space<hbm>> -> memref<312x128xf32, #tpu.memory_space<hbm>>
      %dma_wait3A_61 = arith.constant 0 : i32
      %dma_wait3A_62 = tpu.memref_slice %arg11[%mul3A_47, %dma_wait3A_61] : memref<5008x128xf32, #tpu.memory_space<vmem_shared>> -> memref<312x128xf32, #tpu.memory_space<vmem_shared>>
      tpu.wait_dma2 semaphore(%run_scoped3A : memref<!tpu.dma_semaphore, #tpu.memory_space<semaphore_mem>>) src(%dma_wait3A_62 : memref<312x128xf32, #tpu.memory_space<vmem_shared>>) dst(%dma_wait3A_60 : memref<312x128xf32, #tpu.memory_space<hbm>>)
      tpu.yield
    }) : () -> ()
    %eq3A_51 = arith.constant 0 : i32
    %eq3A_52 = arith.cmpi eq, %arg1, %eq3A_51 : i32
    %convert_element_type3A_53 = arith.extui %eq3A_52 : i1 to i32
    %cond3A_54 = arith.constant 0 : i32
    %cond3A_55 = arith.cmpi ne, %convert_element_type3A_53, %cond3A_54 : i32
    scf.if %cond3A_55 {
      %add3A_57 = arith.constant 4992 : i32
      %add3A_58 = arith.addi %add3A_45, %add3A_57 : i32
      "tpu.region"() ({
        %run_scoped3A = tpu.sem_alloc : memref<!tpu.dma_semaphore, #tpu.memory_space<semaphore_mem>>
        %dma_start3A = arith.constant 0 : i32
        %dma_start3A_59 = tpu.memref_slice %arg6[%add3A_58, %dma_start3A] : memref<20000x128xf32, #tpu.memory_space<hbm>> -> memref<8x128xf32, #tpu.memory_space<hbm>>
        %dma_start3A_60 = arith.constant 4992 : i32
        %dma_start3A_61 = arith.constant 0 : i32
        %dma_start3A_62 = tpu.memref_slice %arg11[%dma_start3A_60, %dma_start3A_61] : memref<5008x128xf32, #tpu.memory_space<vmem_shared>> -> memref<8x128xf32, #tpu.memory_space<vmem_shared>>
        tpu.enqueue_dma source(%dma_start3A_62 : memref<8x128xf32, #tpu.memory_space<vmem_shared>>) target(%dma_start3A_59 : memref<8x128xf32, #tpu.memory_space<hbm>>) target_semaphore(%run_scoped3A : memref<!tpu.dma_semaphore, #tpu.memory_space<semaphore_mem>>)
        %dma_wait3A = arith.constant 0 : i32
        %dma_wait3A_63 = tpu.memref_slice %arg6[%add3A_58, %dma_wait3A] : memref<20000x128xf32, #tpu.memory_space<hbm>> -> memref<8x128xf32, #tpu.memory_space<hbm>>
        %dma_wait3A_64 = arith.constant 4992 : i32
        %dma_wait3A_65 = arith.constant 0 : i32
        %dma_wait3A_66 = tpu.memref_slice %arg11[%dma_wait3A_64, %dma_wait3A_65] : memref<5008x128xf32, #tpu.memory_space<vmem_shared>> -> memref<8x128xf32, #tpu.memory_space<vmem_shared>>
        tpu.wait_dma2 semaphore(%run_scoped3A : memref<!tpu.dma_semaphore, #tpu.memory_space<semaphore_mem>>) src(%dma_wait3A_66 : memref<8x128xf32, #tpu.memory_space<vmem_shared>>) dst(%dma_wait3A_63 : memref<8x128xf32, #tpu.memory_space<hbm>>)
        tpu.yield
      }) : () -> ()
    } else {
    }
    %barrier3A_56 = arith.constant 0 : index
    tpu.barrier barrier_id(%barrier3A_56)
    return
  }
}

#map = affine_map<(d0, d1) -> (0)>
#map1 = affine_map<(d0, d1) -> (0, 0)>
module attributes {stable_mosaic.version = 14 : i64} {
  func.func @_agg1_body(%arg0: i32, %arg1: i32, %arg2: memref<327680xi32, #tpu.memory_space<hbm>>, %arg3: memref<655360xi32, #tpu.memory_space<hbm>>, %arg4: memref<10000x128xf32, #tpu.memory_space<hbm>>, %arg5: memref<624x128xf32, #tpu.memory_space<hbm>>, %arg6: memref<128x128xf32, #tpu.memory_space<hbm>>, %arg7: memref<10000x128xf32, #tpu.memory_space<hbm>>, %arg8: memref<10000x128xf32, #tpu.memory_space<hbm>>, %arg9: memref<128xi32, #tpu.memory_space<vmem>>, %arg10: memref<128xi32, #tpu.memory_space<vmem>>, %arg11: memref<128x128xf32, #tpu.memory_space<vmem>>, %arg12: memref<128x128xf32, #tpu.memory_space<vmem>>, %arg13: memref<!tpu.dma_semaphore, #tpu.memory_space<semaphore_mem>>, %arg14: memref<5008x128xf32, #tpu.memory_space<vmem_shared>>) attributes {dimension_semantics = [#tpu.dimension_semantics<core_parallel>, #tpu.dimension_semantics<subcore_parallel>], iteration_bounds = array<i64: 2, 16>, scalar_prefetch = 0 : i64, scratch_operands = 6 : i64, tpu.core_type = #tpu.core_type<sc_vector_subcore>, window_params = [{transform_indices = #map}, {transform_indices = #map}, {transform_indices = #map1}, {transform_indices = #map1}, {transform_indices = #map1}, {transform_indices = #map1}, {transform_indices = #map1}]} {
    %mul3A = arith.constant 312 : i32
    %mul3A_0 = arith.muli %arg1, %mul3A : i32
    "tpu.region"() ({
      %run_scoped3A = tpu.sem_alloc : memref<!tpu.dma_semaphore, #tpu.memory_space<semaphore_mem>>
      %dma_start3A = arith.constant 0 : i32
      %dma_start3A_52 = tpu.memref_slice %arg14[%mul3A_0, %dma_start3A] : memref<5008x128xf32, #tpu.memory_space<vmem_shared>> -> memref<312x128xf32, #tpu.memory_space<vmem_shared>>
      %dma_start3A_53 = arith.constant 0 : i32
      %dma_start3A_54 = arith.constant 0 : i32
      %dma_start3A_55 = tpu.memref_slice %arg5[%dma_start3A_53, %dma_start3A_54] : memref<624x128xf32, #tpu.memory_space<hbm>> -> memref<312x128xf32, #tpu.memory_space<hbm>>
      tpu.enqueue_dma source(%dma_start3A_55 : memref<312x128xf32, #tpu.memory_space<hbm>>) target(%dma_start3A_52 : memref<312x128xf32, #tpu.memory_space<vmem_shared>>) target_semaphore(%run_scoped3A : memref<!tpu.dma_semaphore, #tpu.memory_space<semaphore_mem>>)
      %dma_wait3A = arith.constant 0 : i32
      %dma_wait3A_56 = tpu.memref_slice %arg14[%mul3A_0, %dma_wait3A] : memref<5008x128xf32, #tpu.memory_space<vmem_shared>> -> memref<312x128xf32, #tpu.memory_space<vmem_shared>>
      %dma_wait3A_57 = arith.constant 0 : i32
      %dma_wait3A_58 = arith.constant 0 : i32
      %dma_wait3A_59 = tpu.memref_slice %arg5[%dma_wait3A_57, %dma_wait3A_58] : memref<624x128xf32, #tpu.memory_space<hbm>> -> memref<312x128xf32, #tpu.memory_space<hbm>>
      tpu.wait_dma2 semaphore(%run_scoped3A : memref<!tpu.dma_semaphore, #tpu.memory_space<semaphore_mem>>) src(%dma_wait3A_59 : memref<312x128xf32, #tpu.memory_space<hbm>>) dst(%dma_wait3A_56 : memref<312x128xf32, #tpu.memory_space<vmem_shared>>)
      tpu.yield
    }) : () -> ()
    %eq3A = arith.constant 0 : i32
    %eq3A_1 = arith.cmpi eq, %arg1, %eq3A : i32
    %convert_element_type3A = arith.extui %eq3A_1 : i1 to i32
    %cond3A = arith.constant 0 : i32
    %cond3A_2 = arith.cmpi ne, %convert_element_type3A, %cond3A : i32
    scf.if %cond3A_2 {
      "tpu.region"() ({
        %run_scoped3A = tpu.sem_alloc : memref<!tpu.dma_semaphore, #tpu.memory_space<semaphore_mem>>
        %dma_start3A = arith.constant 4992 : i32
        %dma_start3A_52 = arith.constant 0 : i32
        %dma_start3A_53 = tpu.memref_slice %arg14[%dma_start3A, %dma_start3A_52] : memref<5008x128xf32, #tpu.memory_space<vmem_shared>> -> memref<16x128xf32, #tpu.memory_space<vmem_shared>>
        %dma_start3A_54 = arith.constant 0 : i32
        %dma_start3A_55 = arith.constant 0 : i32
        %dma_start3A_56 = tpu.memref_slice %arg5[%dma_start3A_54, %dma_start3A_55] : memref<624x128xf32, #tpu.memory_space<hbm>> -> memref<16x128xf32, #tpu.memory_space<hbm>>
        tpu.enqueue_dma source(%dma_start3A_56 : memref<16x128xf32, #tpu.memory_space<hbm>>) target(%dma_start3A_53 : memref<16x128xf32, #tpu.memory_space<vmem_shared>>) target_semaphore(%run_scoped3A : memref<!tpu.dma_semaphore, #tpu.memory_space<semaphore_mem>>)
        %dma_wait3A = arith.constant 4992 : i32
        %dma_wait3A_57 = arith.constant 0 : i32
        %dma_wait3A_58 = tpu.memref_slice %arg14[%dma_wait3A, %dma_wait3A_57] : memref<5008x128xf32, #tpu.memory_space<vmem_shared>> -> memref<16x128xf32, #tpu.memory_space<vmem_shared>>
        %dma_wait3A_59 = arith.constant 0 : i32
        %dma_wait3A_60 = arith.constant 0 : i32
        %dma_wait3A_61 = tpu.memref_slice %arg5[%dma_wait3A_59, %dma_wait3A_60] : memref<624x128xf32, #tpu.memory_space<hbm>> -> memref<16x128xf32, #tpu.memory_space<hbm>>
        tpu.wait_dma2 semaphore(%run_scoped3A : memref<!tpu.dma_semaphore, #tpu.memory_space<semaphore_mem>>) src(%dma_wait3A_61 : memref<16x128xf32, #tpu.memory_space<hbm>>) dst(%dma_wait3A_58 : memref<16x128xf32, #tpu.memory_space<vmem_shared>>)
        tpu.yield
      }) : () -> ()
    } else {
    }
    "tpu.region"() ({
      %run_scoped3A = tpu.sem_alloc : memref<!tpu.dma_semaphore, #tpu.memory_space<semaphore_mem>>
      tpu.enqueue_dma source(%arg6 : memref<128x128xf32, #tpu.memory_space<hbm>>) target(%arg12 : memref<128x128xf32, #tpu.memory_space<vmem>>) target_semaphore(%run_scoped3A : memref<!tpu.dma_semaphore, #tpu.memory_space<semaphore_mem>>)
      tpu.wait_dma2 semaphore(%run_scoped3A : memref<!tpu.dma_semaphore, #tpu.memory_space<semaphore_mem>>) src(%arg6 : memref<128x128xf32, #tpu.memory_space<hbm>>) dst(%arg12 : memref<128x128xf32, #tpu.memory_space<vmem>>)
      tpu.yield
    }) : () -> ()
    %barrier3A = arith.constant 0 : index
    tpu.barrier barrier_id(%barrier3A)
    %mul3A_3 = arith.constant 327680 : i32
    %mul3A_4 = arith.muli %arg0, %mul3A_3 : i32
    %scan3A = arith.constant 0 : i32
    %scan3A_5 = arith.constant 0 : i32
    %scan3A_6 = arith.constant 160 : i32
    %scan3A_7 = arith.addi %scan3A_5, %scan3A_6 : i32
    %scan3A_8 = arith.constant 1 : i32
    scf.for %scan3A_52 = %scan3A_5 to %scan3A_7 step %scan3A_8  : i32 {
      %mul3A_53 = arith.constant 160 : i32
      %mul3A_54 = arith.muli %arg1, %mul3A_53 : i32
      %add3A_55 = arith.addi %mul3A_54, %scan3A_52 : i32
      %mul3A_56 = arith.constant 128 : i32
      %mul3A_57 = arith.muli %add3A_55, %mul3A_56 : i32
      %add3A_58 = arith.constant 0 : i32
      %add3A_59 = arith.addi %add3A_58, %mul3A_57 : i32
      "tpu.region"() ({
        %run_scoped3A = tpu.sem_alloc : memref<!tpu.dma_semaphore, #tpu.memory_space<semaphore_mem>>
        %dma_start3A_65 = tpu.memref_slice %arg2[%add3A_59] : memref<327680xi32, #tpu.memory_space<hbm>> -> memref<128xi32, #tpu.memory_space<hbm>>
        %dma_start3A_66 = tpu.memref_slice %arg2[%add3A_59] : memref<327680xi32, #tpu.memory_space<hbm>> -> memref<128xi32, #tpu.memory_space<hbm>>
        tpu.enqueue_dma source(%dma_start3A_66 : memref<128xi32, #tpu.memory_space<hbm>>) target(%arg9 : memref<128xi32, #tpu.memory_space<vmem>>) target_semaphore(%run_scoped3A : memref<!tpu.dma_semaphore, #tpu.memory_space<semaphore_mem>>)
        %dma_wait3A_67 = tpu.memref_slice %arg2[%add3A_59] : memref<327680xi32, #tpu.memory_space<hbm>> -> memref<128xi32, #tpu.memory_space<hbm>>
        %dma_wait3A_68 = tpu.memref_slice %arg2[%add3A_59] : memref<327680xi32, #tpu.memory_space<hbm>> -> memref<128xi32, #tpu.memory_space<hbm>>
        tpu.wait_dma2 semaphore(%run_scoped3A : memref<!tpu.dma_semaphore, #tpu.memory_space<semaphore_mem>>) src(%dma_wait3A_68 : memref<128xi32, #tpu.memory_space<hbm>>) dst(%arg9 : memref<128xi32, #tpu.memory_space<vmem>>)
        tpu.yield
      }) : () -> ()
      %add3A_60 = arith.addi %mul3A_4, %mul3A_57 : i32
      "tpu.region"() ({
        %run_scoped3A = tpu.sem_alloc : memref<!tpu.dma_semaphore, #tpu.memory_space<semaphore_mem>>
        %dma_start3A_65 = tpu.memref_slice %arg3[%add3A_60] : memref<655360xi32, #tpu.memory_space<hbm>> -> memref<128xi32, #tpu.memory_space<hbm>>
        %dma_start3A_66 = tpu.memref_slice %arg3[%add3A_60] : memref<655360xi32, #tpu.memory_space<hbm>> -> memref<128xi32, #tpu.memory_space<hbm>>
        tpu.enqueue_dma source(%dma_start3A_66 : memref<128xi32, #tpu.memory_space<hbm>>) target(%arg10 : memref<128xi32, #tpu.memory_space<vmem>>) target_semaphore(%run_scoped3A : memref<!tpu.dma_semaphore, #tpu.memory_space<semaphore_mem>>)
        %dma_wait3A_67 = tpu.memref_slice %arg3[%add3A_60] : memref<655360xi32, #tpu.memory_space<hbm>> -> memref<128xi32, #tpu.memory_space<hbm>>
        %dma_wait3A_68 = tpu.memref_slice %arg3[%add3A_60] : memref<655360xi32, #tpu.memory_space<hbm>> -> memref<128xi32, #tpu.memory_space<hbm>>
        tpu.wait_dma2 semaphore(%run_scoped3A : memref<!tpu.dma_semaphore, #tpu.memory_space<semaphore_mem>>) src(%dma_wait3A_68 : memref<128xi32, #tpu.memory_space<hbm>>) dst(%arg10 : memref<128xi32, #tpu.memory_space<vmem>>)
        tpu.yield
      }) : () -> ()
      %dma_start3A = arith.constant 0 : i32
      %dma_start3A_61 = arith.constant 0 : i32
      %dma_start3A_62 = tpu.memref_slice %arg4[%dma_start3A, %dma_start3A_61] : memref<10000x128xf32, #tpu.memory_space<hbm>> -> memref<10000x128xf32, #tpu.memory_space<hbm>>
      tpu.enqueue_indirect_dma source(%dma_start3A_62 : memref<10000x128xf32, #tpu.memory_space<hbm>>) target(%arg11 : memref<128x128xf32, #tpu.memory_space<vmem>>) offsets(%arg9 : memref<128xi32, #tpu.memory_space<vmem>>) semaphore(%arg13 : memref<!tpu.dma_semaphore, #tpu.memory_space<semaphore_mem>>)
      %dma_wait3A = arith.constant 0 : i32
      %dma_wait3A_63 = arith.constant 0 : i32
      %dma_wait3A_64 = tpu.memref_slice %arg4[%dma_wait3A, %dma_wait3A_63] : memref<10000x128xf32, #tpu.memory_space<hbm>> -> memref<10000x128xf32, #tpu.memory_space<hbm>>
      tpu.wait_indirect_dma semaphore(%arg13 : memref<!tpu.dma_semaphore, #tpu.memory_space<semaphore_mem>>) src(%dma_wait3A_64 : memref<10000x128xf32, #tpu.memory_space<hbm>>) dst(%arg11 : memref<128x128xf32, #tpu.memory_space<vmem>>)
      "tpu.region"() ({
        %run_scoped3A = tpu.sem_alloc : memref<!tpu.dma_semaphore, #tpu.memory_space<semaphore_mem>>
        %dma_start3A_65 = arith.constant 0 : i32
        %dma_start3A_66 = arith.constant 0 : i32
        %dma_start3A_67 = tpu.memref_slice %arg14[%dma_start3A_65, %dma_start3A_66] : memref<5008x128xf32, #tpu.memory_space<vmem_shared>> -> memref<5008x128xf32, #tpu.memory_space<vmem_shared>>
        tpu.enqueue_indirect_dma source(%arg11 : memref<128x128xf32, #tpu.memory_space<vmem>>) target(%dma_start3A_67 : memref<5008x128xf32, #tpu.memory_space<vmem_shared>>) offsets(%arg10 : memref<128xi32, #tpu.memory_space<vmem>>) semaphore(%run_scoped3A : memref<!tpu.dma_semaphore, #tpu.memory_space<semaphore_mem>>) {add = true}
        %dma_wait3A_68 = arith.constant 0 : i32
        %dma_wait3A_69 = arith.constant 0 : i32
        %dma_wait3A_70 = tpu.memref_slice %arg14[%dma_wait3A_68, %dma_wait3A_69] : memref<5008x128xf32, #tpu.memory_space<vmem_shared>> -> memref<5008x128xf32, #tpu.memory_space<vmem_shared>>
        tpu.wait_indirect_dma semaphore(%run_scoped3A : memref<!tpu.dma_semaphore, #tpu.memory_space<semaphore_mem>>) src(%arg11 : memref<128x128xf32, #tpu.memory_space<vmem>>) dst(%dma_wait3A_70 : memref<5008x128xf32, #tpu.memory_space<vmem_shared>>)
        tpu.yield
      }) : () -> ()
    }
    %scan3A_9 = arith.constant 160 : i32
    %barrier3A_10 = arith.constant 0 : index
    tpu.barrier barrier_id(%barrier3A_10)
    %mul3A_11 = arith.constant 5000 : i32
    %mul3A_12 = arith.muli %arg0, %mul3A_11 : i32
    %mul3A_13 = arith.constant 312 : i32
    %mul3A_14 = arith.muli %arg1, %mul3A_13 : i32
    %mul3A_15 = arith.constant 312 : i32
    %mul3A_16 = arith.muli %arg1, %mul3A_15 : i32
    %add3A = arith.addi %mul3A_12, %mul3A_16 : i32
    "tpu.region"() ({
      %run_scoped3A = tpu.sem_alloc : memref<!tpu.dma_semaphore, #tpu.memory_space<semaphore_mem>>
      %dma_start3A = arith.constant 0 : i32
      %dma_start3A_52 = tpu.memref_slice %arg7[%add3A, %dma_start3A] : memref<10000x128xf32, #tpu.memory_space<hbm>> -> memref<312x128xf32, #tpu.memory_space<hbm>>
      %dma_start3A_53 = arith.constant 0 : i32
      %dma_start3A_54 = tpu.memref_slice %arg14[%mul3A_14, %dma_start3A_53] : memref<5008x128xf32, #tpu.memory_space<vmem_shared>> -> memref<312x128xf32, #tpu.memory_space<vmem_shared>>
      tpu.enqueue_dma source(%dma_start3A_54 : memref<312x128xf32, #tpu.memory_space<vmem_shared>>) target(%dma_start3A_52 : memref<312x128xf32, #tpu.memory_space<hbm>>) target_semaphore(%run_scoped3A : memref<!tpu.dma_semaphore, #tpu.memory_space<semaphore_mem>>)
      %dma_wait3A = arith.constant 0 : i32
      %dma_wait3A_55 = tpu.memref_slice %arg7[%add3A, %dma_wait3A] : memref<10000x128xf32, #tpu.memory_space<hbm>> -> memref<312x128xf32, #tpu.memory_space<hbm>>
      %dma_wait3A_56 = arith.constant 0 : i32
      %dma_wait3A_57 = tpu.memref_slice %arg14[%mul3A_14, %dma_wait3A_56] : memref<5008x128xf32, #tpu.memory_space<vmem_shared>> -> memref<312x128xf32, #tpu.memory_space<vmem_shared>>
      tpu.wait_dma2 semaphore(%run_scoped3A : memref<!tpu.dma_semaphore, #tpu.memory_space<semaphore_mem>>) src(%dma_wait3A_57 : memref<312x128xf32, #tpu.memory_space<vmem_shared>>) dst(%dma_wait3A_55 : memref<312x128xf32, #tpu.memory_space<hbm>>)
      tpu.yield
    }) : () -> ()
    %eq3A_17 = arith.constant 0 : i32
    %eq3A_18 = arith.cmpi eq, %arg1, %eq3A_17 : i32
    %convert_element_type3A_19 = arith.extui %eq3A_18 : i1 to i32
    %cond3A_20 = arith.constant 0 : i32
    %cond3A_21 = arith.cmpi ne, %convert_element_type3A_19, %cond3A_20 : i32
    scf.if %cond3A_21 {
      %add3A_52 = arith.constant 4992 : i32
      %add3A_53 = arith.addi %mul3A_12, %add3A_52 : i32
      "tpu.region"() ({
        %run_scoped3A = tpu.sem_alloc : memref<!tpu.dma_semaphore, #tpu.memory_space<semaphore_mem>>
        %dma_start3A = arith.constant 0 : i32
        %dma_start3A_54 = tpu.memref_slice %arg7[%add3A_53, %dma_start3A] : memref<10000x128xf32, #tpu.memory_space<hbm>> -> memref<8x128xf32, #tpu.memory_space<hbm>>
        %dma_start3A_55 = arith.constant 4992 : i32
        %dma_start3A_56 = arith.constant 0 : i32
        %dma_start3A_57 = tpu.memref_slice %arg14[%dma_start3A_55, %dma_start3A_56] : memref<5008x128xf32, #tpu.memory_space<vmem_shared>> -> memref<8x128xf32, #tpu.memory_space<vmem_shared>>
        tpu.enqueue_dma source(%dma_start3A_57 : memref<8x128xf32, #tpu.memory_space<vmem_shared>>) target(%dma_start3A_54 : memref<8x128xf32, #tpu.memory_space<hbm>>) target_semaphore(%run_scoped3A : memref<!tpu.dma_semaphore, #tpu.memory_space<semaphore_mem>>)
        %dma_wait3A = arith.constant 0 : i32
        %dma_wait3A_58 = tpu.memref_slice %arg7[%add3A_53, %dma_wait3A] : memref<10000x128xf32, #tpu.memory_space<hbm>> -> memref<8x128xf32, #tpu.memory_space<hbm>>
        %dma_wait3A_59 = arith.constant 4992 : i32
        %dma_wait3A_60 = arith.constant 0 : i32
        %dma_wait3A_61 = tpu.memref_slice %arg14[%dma_wait3A_59, %dma_wait3A_60] : memref<5008x128xf32, #tpu.memory_space<vmem_shared>> -> memref<8x128xf32, #tpu.memory_space<vmem_shared>>
        tpu.wait_dma2 semaphore(%run_scoped3A : memref<!tpu.dma_semaphore, #tpu.memory_space<semaphore_mem>>) src(%dma_wait3A_61 : memref<8x128xf32, #tpu.memory_space<vmem_shared>>) dst(%dma_wait3A_58 : memref<8x128xf32, #tpu.memory_space<hbm>>)
        tpu.yield
      }) : () -> ()
    } else {
    }
    %barrier3A_22 = arith.constant 0 : index
    tpu.barrier barrier_id(%barrier3A_22)
    %mul3A_23 = arith.constant 312 : i32
    %mul3A_24 = arith.muli %arg1, %mul3A_23 : i32
    "tpu.region"() ({
      %run_scoped3A = tpu.sem_alloc : memref<!tpu.dma_semaphore, #tpu.memory_space<semaphore_mem>>
      %dma_start3A = arith.constant 0 : i32
      %dma_start3A_52 = tpu.memref_slice %arg14[%mul3A_24, %dma_start3A] : memref<5008x128xf32, #tpu.memory_space<vmem_shared>> -> memref<312x128xf32, #tpu.memory_space<vmem_shared>>
      %dma_start3A_53 = arith.constant 0 : i32
      %dma_start3A_54 = arith.constant 0 : i32
      %dma_start3A_55 = tpu.memref_slice %arg5[%dma_start3A_53, %dma_start3A_54] : memref<624x128xf32, #tpu.memory_space<hbm>> -> memref<312x128xf32, #tpu.memory_space<hbm>>
      tpu.enqueue_dma source(%dma_start3A_55 : memref<312x128xf32, #tpu.memory_space<hbm>>) target(%dma_start3A_52 : memref<312x128xf32, #tpu.memory_space<vmem_shared>>) target_semaphore(%run_scoped3A : memref<!tpu.dma_semaphore, #tpu.memory_space<semaphore_mem>>)
      %dma_wait3A = arith.constant 0 : i32
      %dma_wait3A_56 = tpu.memref_slice %arg14[%mul3A_24, %dma_wait3A] : memref<5008x128xf32, #tpu.memory_space<vmem_shared>> -> memref<312x128xf32, #tpu.memory_space<vmem_shared>>
      %dma_wait3A_57 = arith.constant 0 : i32
      %dma_wait3A_58 = arith.constant 0 : i32
      %dma_wait3A_59 = tpu.memref_slice %arg5[%dma_wait3A_57, %dma_wait3A_58] : memref<624x128xf32, #tpu.memory_space<hbm>> -> memref<312x128xf32, #tpu.memory_space<hbm>>
      tpu.wait_dma2 semaphore(%run_scoped3A : memref<!tpu.dma_semaphore, #tpu.memory_space<semaphore_mem>>) src(%dma_wait3A_59 : memref<312x128xf32, #tpu.memory_space<hbm>>) dst(%dma_wait3A_56 : memref<312x128xf32, #tpu.memory_space<vmem_shared>>)
      tpu.yield
    }) : () -> ()
    %eq3A_25 = arith.constant 0 : i32
    %eq3A_26 = arith.cmpi eq, %arg1, %eq3A_25 : i32
    %convert_element_type3A_27 = arith.extui %eq3A_26 : i1 to i32
    %cond3A_28 = arith.constant 0 : i32
    %cond3A_29 = arith.cmpi ne, %convert_element_type3A_27, %cond3A_28 : i32
    scf.if %cond3A_29 {
      "tpu.region"() ({
        %run_scoped3A = tpu.sem_alloc : memref<!tpu.dma_semaphore, #tpu.memory_space<semaphore_mem>>
        %dma_start3A = arith.constant 4992 : i32
        %dma_start3A_52 = arith.constant 0 : i32
        %dma_start3A_53 = tpu.memref_slice %arg14[%dma_start3A, %dma_start3A_52] : memref<5008x128xf32, #tpu.memory_space<vmem_shared>> -> memref<16x128xf32, #tpu.memory_space<vmem_shared>>
        %dma_start3A_54 = arith.constant 0 : i32
        %dma_start3A_55 = arith.constant 0 : i32
        %dma_start3A_56 = tpu.memref_slice %arg5[%dma_start3A_54, %dma_start3A_55] : memref<624x128xf32, #tpu.memory_space<hbm>> -> memref<16x128xf32, #tpu.memory_space<hbm>>
        tpu.enqueue_dma source(%dma_start3A_56 : memref<16x128xf32, #tpu.memory_space<hbm>>) target(%dma_start3A_53 : memref<16x128xf32, #tpu.memory_space<vmem_shared>>) target_semaphore(%run_scoped3A : memref<!tpu.dma_semaphore, #tpu.memory_space<semaphore_mem>>)
        %dma_wait3A = arith.constant 4992 : i32
        %dma_wait3A_57 = arith.constant 0 : i32
        %dma_wait3A_58 = tpu.memref_slice %arg14[%dma_wait3A, %dma_wait3A_57] : memref<5008x128xf32, #tpu.memory_space<vmem_shared>> -> memref<16x128xf32, #tpu.memory_space<vmem_shared>>
        %dma_wait3A_59 = arith.constant 0 : i32
        %dma_wait3A_60 = arith.constant 0 : i32
        %dma_wait3A_61 = tpu.memref_slice %arg5[%dma_wait3A_59, %dma_wait3A_60] : memref<624x128xf32, #tpu.memory_space<hbm>> -> memref<16x128xf32, #tpu.memory_space<hbm>>
        tpu.wait_dma2 semaphore(%run_scoped3A : memref<!tpu.dma_semaphore, #tpu.memory_space<semaphore_mem>>) src(%dma_wait3A_61 : memref<16x128xf32, #tpu.memory_space<hbm>>) dst(%dma_wait3A_58 : memref<16x128xf32, #tpu.memory_space<vmem_shared>>)
        tpu.yield
      }) : () -> ()
    } else {
    }
    %barrier3A_30 = arith.constant 0 : index
    tpu.barrier barrier_id(%barrier3A_30)
    %mul3A_31 = arith.constant 327680 : i32
    %mul3A_32 = arith.muli %arg0, %mul3A_31 : i32
    %scan3A_33 = arith.constant 0 : i32
    %scan3A_34 = arith.constant 0 : i32
    %scan3A_35 = arith.constant 160 : i32
    %scan3A_36 = arith.addi %scan3A_34, %scan3A_35 : i32
    %scan3A_37 = arith.constant 1 : i32
    scf.for %scan3A_52 = %scan3A_34 to %scan3A_36 step %scan3A_37  : i32 {
      %mul3A_53 = arith.constant 160 : i32
      %mul3A_54 = arith.muli %arg1, %mul3A_53 : i32
      %add3A_55 = arith.addi %mul3A_54, %scan3A_52 : i32
      %mul3A_56 = arith.constant 128 : i32
      %mul3A_57 = arith.muli %add3A_55, %mul3A_56 : i32
      %add3A_58 = arith.addi %mul3A_32, %mul3A_57 : i32
      "tpu.region"() ({
        %run_scoped3A = tpu.sem_alloc : memref<!tpu.dma_semaphore, #tpu.memory_space<semaphore_mem>>
        %dma_start3A = tpu.memref_slice %arg3[%add3A_58] : memref<655360xi32, #tpu.memory_space<hbm>> -> memref<128xi32, #tpu.memory_space<hbm>>
        %dma_start3A_59 = tpu.memref_slice %arg3[%add3A_58] : memref<655360xi32, #tpu.memory_space<hbm>> -> memref<128xi32, #tpu.memory_space<hbm>>
        tpu.enqueue_dma source(%dma_start3A_59 : memref<128xi32, #tpu.memory_space<hbm>>) target(%arg10 : memref<128xi32, #tpu.memory_space<vmem>>) target_semaphore(%run_scoped3A : memref<!tpu.dma_semaphore, #tpu.memory_space<semaphore_mem>>)
        %dma_wait3A = tpu.memref_slice %arg3[%add3A_58] : memref<655360xi32, #tpu.memory_space<hbm>> -> memref<128xi32, #tpu.memory_space<hbm>>
        %dma_wait3A_60 = tpu.memref_slice %arg3[%add3A_58] : memref<655360xi32, #tpu.memory_space<hbm>> -> memref<128xi32, #tpu.memory_space<hbm>>
        tpu.wait_dma2 semaphore(%run_scoped3A : memref<!tpu.dma_semaphore, #tpu.memory_space<semaphore_mem>>) src(%dma_wait3A_60 : memref<128xi32, #tpu.memory_space<hbm>>) dst(%arg10 : memref<128xi32, #tpu.memory_space<vmem>>)
        tpu.yield
      }) : () -> ()
      "tpu.region"() ({
        %run_scoped3A = tpu.sem_alloc : memref<!tpu.dma_semaphore, #tpu.memory_space<semaphore_mem>>
        %dma_start3A = arith.constant 0 : i32
        %dma_start3A_59 = arith.constant 0 : i32
        %dma_start3A_60 = tpu.memref_slice %arg14[%dma_start3A, %dma_start3A_59] : memref<5008x128xf32, #tpu.memory_space<vmem_shared>> -> memref<5008x128xf32, #tpu.memory_space<vmem_shared>>
        tpu.enqueue_indirect_dma source(%arg12 : memref<128x128xf32, #tpu.memory_space<vmem>>) target(%dma_start3A_60 : memref<5008x128xf32, #tpu.memory_space<vmem_shared>>) offsets(%arg10 : memref<128xi32, #tpu.memory_space<vmem>>) semaphore(%run_scoped3A : memref<!tpu.dma_semaphore, #tpu.memory_space<semaphore_mem>>) {add = true}
        %dma_wait3A = arith.constant 0 : i32
        %dma_wait3A_61 = arith.constant 0 : i32
        %dma_wait3A_62 = tpu.memref_slice %arg14[%dma_wait3A, %dma_wait3A_61] : memref<5008x128xf32, #tpu.memory_space<vmem_shared>> -> memref<5008x128xf32, #tpu.memory_space<vmem_shared>>
        tpu.wait_indirect_dma semaphore(%run_scoped3A : memref<!tpu.dma_semaphore, #tpu.memory_space<semaphore_mem>>) src(%arg12 : memref<128x128xf32, #tpu.memory_space<vmem>>) dst(%dma_wait3A_62 : memref<5008x128xf32, #tpu.memory_space<vmem_shared>>)
        tpu.yield
      }) : () -> ()
    }
    %scan3A_38 = arith.constant 160 : i32
    %barrier3A_39 = arith.constant 0 : index
    tpu.barrier barrier_id(%barrier3A_39)
    %mul3A_40 = arith.constant 5000 : i32
    %mul3A_41 = arith.muli %arg0, %mul3A_40 : i32
    %mul3A_42 = arith.constant 312 : i32
    %mul3A_43 = arith.muli %arg1, %mul3A_42 : i32
    %mul3A_44 = arith.constant 312 : i32
    %mul3A_45 = arith.muli %arg1, %mul3A_44 : i32
    %add3A_46 = arith.addi %mul3A_41, %mul3A_45 : i32
    "tpu.region"() ({
      %run_scoped3A = tpu.sem_alloc : memref<!tpu.dma_semaphore, #tpu.memory_space<semaphore_mem>>
      %dma_start3A = arith.constant 0 : i32
      %dma_start3A_52 = tpu.memref_slice %arg8[%add3A_46, %dma_start3A] : memref<10000x128xf32, #tpu.memory_space<hbm>> -> memref<312x128xf32, #tpu.memory_space<hbm>>
      %dma_start3A_53 = arith.constant 0 : i32
      %dma_start3A_54 = tpu.memref_slice %arg14[%mul3A_43, %dma_start3A_53] : memref<5008x128xf32, #tpu.memory_space<vmem_shared>> -> memref<312x128xf32, #tpu.memory_space<vmem_shared>>
      tpu.enqueue_dma source(%dma_start3A_54 : memref<312x128xf32, #tpu.memory_space<vmem_shared>>) target(%dma_start3A_52 : memref<312x128xf32, #tpu.memory_space<hbm>>) target_semaphore(%run_scoped3A : memref<!tpu.dma_semaphore, #tpu.memory_space<semaphore_mem>>)
      %dma_wait3A = arith.constant 0 : i32
      %dma_wait3A_55 = tpu.memref_slice %arg8[%add3A_46, %dma_wait3A] : memref<10000x128xf32, #tpu.memory_space<hbm>> -> memref<312x128xf32, #tpu.memory_space<hbm>>
      %dma_wait3A_56 = arith.constant 0 : i32
      %dma_wait3A_57 = tpu.memref_slice %arg14[%mul3A_43, %dma_wait3A_56] : memref<5008x128xf32, #tpu.memory_space<vmem_shared>> -> memref<312x128xf32, #tpu.memory_space<vmem_shared>>
      tpu.wait_dma2 semaphore(%run_scoped3A : memref<!tpu.dma_semaphore, #tpu.memory_space<semaphore_mem>>) src(%dma_wait3A_57 : memref<312x128xf32, #tpu.memory_space<vmem_shared>>) dst(%dma_wait3A_55 : memref<312x128xf32, #tpu.memory_space<hbm>>)
      tpu.yield
    }) : () -> ()
    %eq3A_47 = arith.constant 0 : i32
    %eq3A_48 = arith.cmpi eq, %arg1, %eq3A_47 : i32
    %convert_element_type3A_49 = arith.extui %eq3A_48 : i1 to i32
    %cond3A_50 = arith.constant 0 : i32
    %cond3A_51 = arith.cmpi ne, %convert_element_type3A_49, %cond3A_50 : i32
    scf.if %cond3A_51 {
      %add3A_52 = arith.constant 4992 : i32
      %add3A_53 = arith.addi %mul3A_41, %add3A_52 : i32
      "tpu.region"() ({
        %run_scoped3A = tpu.sem_alloc : memref<!tpu.dma_semaphore, #tpu.memory_space<semaphore_mem>>
        %dma_start3A = arith.constant 0 : i32
        %dma_start3A_54 = tpu.memref_slice %arg8[%add3A_53, %dma_start3A] : memref<10000x128xf32, #tpu.memory_space<hbm>> -> memref<8x128xf32, #tpu.memory_space<hbm>>
        %dma_start3A_55 = arith.constant 4992 : i32
        %dma_start3A_56 = arith.constant 0 : i32
        %dma_start3A_57 = tpu.memref_slice %arg14[%dma_start3A_55, %dma_start3A_56] : memref<5008x128xf32, #tpu.memory_space<vmem_shared>> -> memref<8x128xf32, #tpu.memory_space<vmem_shared>>
        tpu.enqueue_dma source(%dma_start3A_57 : memref<8x128xf32, #tpu.memory_space<vmem_shared>>) target(%dma_start3A_54 : memref<8x128xf32, #tpu.memory_space<hbm>>) target_semaphore(%run_scoped3A : memref<!tpu.dma_semaphore, #tpu.memory_space<semaphore_mem>>)
        %dma_wait3A = arith.constant 0 : i32
        %dma_wait3A_58 = tpu.memref_slice %arg8[%add3A_53, %dma_wait3A] : memref<10000x128xf32, #tpu.memory_space<hbm>> -> memref<8x128xf32, #tpu.memory_space<hbm>>
        %dma_wait3A_59 = arith.constant 4992 : i32
        %dma_wait3A_60 = arith.constant 0 : i32
        %dma_wait3A_61 = tpu.memref_slice %arg14[%dma_wait3A_59, %dma_wait3A_60] : memref<5008x128xf32, #tpu.memory_space<vmem_shared>> -> memref<8x128xf32, #tpu.memory_space<vmem_shared>>
        tpu.wait_dma2 semaphore(%run_scoped3A : memref<!tpu.dma_semaphore, #tpu.memory_space<semaphore_mem>>) src(%dma_wait3A_61 : memref<8x128xf32, #tpu.memory_space<vmem_shared>>) dst(%dma_wait3A_58 : memref<8x128xf32, #tpu.memory_space<hbm>>)
        tpu.yield
      }) : () -> ()
    } else {
    }
    return
  }
}

module attributes {stable_mosaic.version = 14 : i64} {
  func.func @_enc1_body(%arg0: memref<10000x128xf32, #tpu.memory_space<vmem>>, %arg1: memref<10000x128xf32, #tpu.memory_space<vmem>>, %arg2: memref<128x256xf32, #tpu.memory_space<vmem>>, %arg3: memref<1x256xf32, #tpu.memory_space<vmem>>, %arg4: memref<1x256xf32, #tpu.memory_space<vmem>>, %arg5: memref<1x256xf32, #tpu.memory_space<vmem>>, %arg6: memref<10000x256xf32, #tpu.memory_space<vmem>>, %arg7: memref<20000x128xf32, #tpu.memory_space<vmem>>) attributes {dimension_semantics = [], scalar_prefetch = 0 : i64, scratch_operands = 0 : i64, tpu.core_type = #tpu.core_type<tc>} {
    %get3A = arith.constant 0 : index
    %get3A_0 = arith.constant 0 : index
    %get3A_1 = vector.load %arg1[%get3A, %get3A_0] : memref<10000x128xf32, #tpu.memory_space<vmem>>, vector<10000x1xf32>
    %max3A = arith.constant 1.000000e+00 : f32
    %max3A_2 = vector.broadcast %max3A : f32 to vector<10000x1xf32>
    %max3A_3 = arith.maximumf %get3A_1, %max3A_2 : vector<10000x1xf32>
    %div3A = arith.constant 1.000000e+00 : f32
    %div3A_4 = vector.broadcast %div3A : f32 to vector<10000x1xf32>
    %div3A_5 = arith.divf %div3A_4, %max3A_3 : vector<10000x1xf32>
    %get3A_6 = arith.constant 0 : index
    %get3A_7 = arith.constant 0 : index
    %get3A_8 = vector.load %arg0[%get3A_6, %get3A_7] : memref<10000x128xf32, #tpu.memory_space<vmem>>, vector<10000x128xf32>
    %mul3A = vector.broadcast %div3A_5 : vector<10000x1xf32> to vector<10000x128xf32>
    %mul3A_9 = arith.mulf %get3A_8, %mul3A : vector<10000x128xf32>
    %get3A_10 = arith.constant 0 : index
    %get3A_11 = arith.constant 0 : index
    %get3A_12 = vector.load %arg2[%get3A_10, %get3A_11] : memref<128x256xf32, #tpu.memory_space<vmem>>, vector<128x256xf32>
    %dot_general3A = arith.constant dense<0.000000e+00> : vector<10000x256xf32>
    %dot_general3A_13 = tpu.matmul %mul3A_9, %get3A_12, %dot_general3A {dimension_numbers = #tpu.dot_dimension_numbers<[1], [0], [0], [1], [0, 0, 1, 1], [], []>, transpose_lhs_hint = false} : vector<10000x128xf32>, vector<128x256xf32>, vector<10000x256xf32> -> vector<10000x256xf32>
    %get3A_14 = arith.constant 0 : index
    %get3A_15 = arith.constant 0 : index
    %get3A_16 = vector.load %arg3[%get3A_14, %get3A_15] : memref<1x256xf32, #tpu.memory_space<vmem>>, vector<1x256xf32>
    %add3A = vector.broadcast %get3A_16 : vector<1x256xf32> to vector<10000x256xf32>
    %add3A_17 = arith.addf %dot_general3A_13, %add3A : vector<10000x256xf32>
    %tanh3A = math.tanh %add3A_17 : vector<10000x256xf32>
    %reduce_sum3A = arith.constant dense<0.000000e+00> : vector<256xf32>
    %reduce_sum3A_18 = vector.multi_reduction <add>, %tanh3A, %reduce_sum3A [0] : vector<10000x256xf32> to vector<256xf32>
    %broadcast_in_dim3A = vector.shape_cast %reduce_sum3A_18 : vector<256xf32> to vector<1x256xf32>
    %div3A_19 = arith.constant 1.000000e+04 : f32
    %div3A_20 = vector.broadcast %div3A_19 : f32 to vector<1x256xf32>
    %div3A_21 = arith.divf %broadcast_in_dim3A, %div3A_20 : vector<1x256xf32>
    %sub3A = vector.broadcast %div3A_21 : vector<1x256xf32> to vector<10000x256xf32>
    %sub3A_22 = arith.subf %tanh3A, %sub3A : vector<10000x256xf32>
    %square3A = arith.mulf %sub3A_22, %sub3A_22 : vector<10000x256xf32>
    %reduce_sum3A_23 = arith.constant dense<0.000000e+00> : vector<256xf32>
    %reduce_sum3A_24 = vector.multi_reduction <add>, %square3A, %reduce_sum3A_23 [0] : vector<10000x256xf32> to vector<256xf32>
    %broadcast_in_dim3A_25 = vector.shape_cast %reduce_sum3A_24 : vector<256xf32> to vector<1x256xf32>
    %div3A_26 = arith.constant 1.000000e+04 : f32
    %div3A_27 = vector.broadcast %div3A_26 : f32 to vector<1x256xf32>
    %div3A_28 = arith.divf %broadcast_in_dim3A_25, %div3A_27 : vector<1x256xf32>
    %sub3A_29 = vector.broadcast %div3A_21 : vector<1x256xf32> to vector<10000x256xf32>
    %sub3A_30 = arith.subf %tanh3A, %sub3A_29 : vector<10000x256xf32>
    %add3A_31 = arith.constant 9.99999974E-6 : f32
    %add3A_32 = vector.broadcast %add3A_31 : f32 to vector<1x256xf32>
    %add3A_33 = arith.addf %div3A_28, %add3A_32 : vector<1x256xf32>
    %rsqrt3A = math.rsqrt %add3A_33 : vector<1x256xf32>
    %mul3A_34 = vector.broadcast %rsqrt3A : vector<1x256xf32> to vector<10000x256xf32>
    %mul3A_35 = arith.mulf %sub3A_30, %mul3A_34 : vector<10000x256xf32>
    %get3A_36 = arith.constant 0 : index
    %get3A_37 = arith.constant 0 : index
    %get3A_38 = vector.load %arg4[%get3A_36, %get3A_37] : memref<1x256xf32, #tpu.memory_space<vmem>>, vector<1x256xf32>
    %mul3A_39 = vector.broadcast %get3A_38 : vector<1x256xf32> to vector<10000x256xf32>
    %mul3A_40 = arith.mulf %mul3A_35, %mul3A_39 : vector<10000x256xf32>
    %get3A_41 = arith.constant 0 : index
    %get3A_42 = arith.constant 0 : index
    %get3A_43 = vector.load %arg5[%get3A_41, %get3A_42] : memref<1x256xf32, #tpu.memory_space<vmem>>, vector<1x256xf32>
    %add3A_44 = vector.broadcast %get3A_43 : vector<1x256xf32> to vector<10000x256xf32>
    %add3A_45 = arith.addf %mul3A_40, %add3A_44 : vector<10000x256xf32>
    %swap3A = arith.constant 0 : index
    %swap3A_46 = arith.constant 0 : index
    %swap3A_47 = vector.load %arg6[%swap3A, %swap3A_46] : memref<10000x256xf32, #tpu.memory_space<vmem>>, vector<10000x256xf32>
    tpu.vector_store %arg6[%swap3A, %swap3A_46], %add3A_45 {strides = array<i32>} : memref<10000x256xf32, #tpu.memory_space<vmem>>, vector<10000x256xf32>,
    %slice3A = vector.extract_strided_slice %add3A_45 {offsets = [0, 0], sizes = [10000, 128], strides = [1, 1]} : vector<10000x256xf32> to vector<10000x128xf32>
    %swap3A_48 = arith.constant 0 : index
    %swap3A_49 = arith.constant 0 : index
    %swap3A_50 = vector.load %arg7[%swap3A_48, %swap3A_49] : memref<20000x128xf32, #tpu.memory_space<vmem>>, vector<10000x128xf32>
    tpu.vector_store %arg7[%swap3A_48, %swap3A_49], %slice3A {strides = array<i32>} : memref<20000x128xf32, #tpu.memory_space<vmem>>, vector<10000x128xf32>,
    %slice3A_51 = vector.extract_strided_slice %add3A_45 {offsets = [0, 128], sizes = [10000, 128], strides = [1, 1]} : vector<10000x256xf32> to vector<10000x128xf32>
    %swap3A_52 = arith.constant 10000 : index
    %swap3A_53 = arith.constant 0 : index
    %swap3A_54 = vector.load %arg7[%swap3A_52, %swap3A_53] : memref<20000x128xf32, #tpu.memory_space<vmem>>, vector<10000x128xf32>
    tpu.vector_store %arg7[%swap3A_52, %swap3A_53], %slice3A_51 {strides = array<i32>} : memref<20000x128xf32, #tpu.memory_space<vmem>>, vector<10000x128xf32>,
    return
  }
}

module attributes {stable_mosaic.version = 14 : i64} {
  func.func @_dstats_body(%arg0: i32, %arg1: memref<400x256xf32, #tpu.memory_space<vmem>>, %arg2: memref<256x10000xf32, #tpu.memory_space<vmem>>, %arg3: memref<8x10000xf32, #tpu.memory_space<vmem>>) attributes {dimension_semantics = [#tpu.dimension_semantics<arbitrary>], iteration_bounds = array<i64: 25>, scalar_prefetch = 0 : i64, scratch_operands = 0 : i64, tpu.core_type = #tpu.core_type<tc>, window_params = [{transform_indices = @transform_0, window_bounds = array<i64: 400, 256>}, {pipeline_mode = #tpu.pipeline_mode<synchronous>, transform_indices = @transform_1, window_bounds = array<i64: 256, 10000>}, {pipeline_mode = #tpu.pipeline_mode<synchronous>, transform_indices = @transform_2, window_bounds = array<i64: 8, 10000>}]} {
    %eq3A = arith.constant 0 : i32
    %eq3A_0 = arith.cmpi eq, %arg0, %eq3A : i32
    %convert_element_type3A = arith.extui %eq3A_0 : i1 to i32
    %cond3A = arith.constant 0 : i32
    %cond3A_1 = arith.cmpi ne, %convert_element_type3A, %cond3A : i32
    scf.if %cond3A_1 {
      %broadcast_in_dim3A_29 = arith.constant 0.000000e+00 : f32
      %broadcast_in_dim3A_30 = vector.broadcast %broadcast_in_dim3A_29 : f32 to vector<8x10000xf32>
      %swap3A_31 = arith.constant 0 : index
      %swap3A_32 = arith.constant 0 : index
      %swap3A_33 = vector.load %arg3[%swap3A_31, %swap3A_32] : memref<8x10000xf32, #tpu.memory_space<vmem>>, vector<8x10000xf32>
      tpu.vector_store %arg3[%swap3A_31, %swap3A_32], %broadcast_in_dim3A_30 {strides = array<i32>} : memref<8x10000xf32, #tpu.memory_space<vmem>>, vector<8x10000xf32>,
    } else {
    }
    %get3A = arith.constant 0 : index
    %get3A_2 = arith.constant 0 : index
    %get3A_3 = vector.load %arg1[%get3A, %get3A_2] : memref<400x256xf32, #tpu.memory_space<vmem>>, vector<400x256xf32>
    %get3A_4 = arith.constant 0 : index
    %get3A_5 = arith.constant 0 : index
    %get3A_6 = vector.load %arg2[%get3A_4, %get3A_5] : memref<256x10000xf32, #tpu.memory_space<vmem>>, vector<256x10000xf32>
    %dot_general3A = arith.constant dense<0.000000e+00> : vector<400x10000xf32>
    %dot_general3A_7 = tpu.matmul %get3A_3, %get3A_6, %dot_general3A {dimension_numbers = #tpu.dot_dimension_numbers<[1], [0], [0], [1], [0, 0, 1, 1], [], []>, transpose_lhs_hint = false} : vector<400x256xf32>, vector<256x10000xf32>, vector<400x10000xf32> -> vector<400x10000xf32>
    %logistic3A = arith.negf %dot_general3A_7 : vector<400x10000xf32>
    %logistic3A_8 = math.exp %logistic3A : vector<400x10000xf32>
    %logistic3A_9 = arith.constant 1.000000e+00 : f32
    %logistic3A_10 = vector.broadcast %logistic3A_9 : f32 to vector<400x10000xf32>
    %logistic3A_11 = arith.addf %logistic3A_10, %logistic3A_8 : vector<400x10000xf32>
    %logistic3A_12 = arith.divf %logistic3A_10, %logistic3A_11 : vector<400x10000xf32>
    %get3A_13 = arith.constant 0 : index
    %get3A_14 = arith.constant 0 : index
    %get3A_15 = vector.load %arg3[%get3A_13, %get3A_14] : memref<8x10000xf32, #tpu.memory_space<vmem>>, vector<1x10000xf32>
    %reduce_sum3A = arith.constant dense<0.000000e+00> : vector<10000xf32>
    %reduce_sum3A_16 = vector.multi_reduction <add>, %logistic3A_12, %reduce_sum3A [0] : vector<400x10000xf32> to vector<10000xf32>
    %broadcast_in_dim3A = vector.shape_cast %reduce_sum3A_16 : vector<10000xf32> to vector<1x10000xf32>
    %add3A = arith.addf %get3A_15, %broadcast_in_dim3A : vector<1x10000xf32>
    %swap3A = arith.constant 0 : index
    %swap3A_17 = arith.constant 0 : index
    %swap3A_18 = vector.load %arg3[%swap3A, %swap3A_17] : memref<8x10000xf32, #tpu.memory_space<vmem>>, vector<1x10000xf32>
    tpu.vector_store %arg3[%swap3A, %swap3A_17], %add3A {strides = array<i32>} : memref<8x10000xf32, #tpu.memory_space<vmem>>, vector<1x10000xf32>,
    %get3A_19 = arith.constant 1 : index
    %get3A_20 = arith.constant 0 : index
    %get3A_21 = vector.load %arg3[%get3A_19, %get3A_20] : memref<8x10000xf32, #tpu.memory_space<vmem>>, vector<1x10000xf32>
    %mul3A = arith.mulf %logistic3A_12, %logistic3A_12 : vector<400x10000xf32>
    %reduce_sum3A_22 = arith.constant dense<0.000000e+00> : vector<10000xf32>
    %reduce_sum3A_23 = vector.multi_reduction <add>, %mul3A, %reduce_sum3A_22 [0] : vector<400x10000xf32> to vector<10000xf32>
    %broadcast_in_dim3A_24 = vector.shape_cast %reduce_sum3A_23 : vector<10000xf32> to vector<1x10000xf32>
    %add3A_25 = arith.addf %get3A_21, %broadcast_in_dim3A_24 : vector<1x10000xf32>
    %swap3A_26 = arith.constant 1 : index
    %swap3A_27 = arith.constant 0 : index
    %swap3A_28 = vector.load %arg3[%swap3A_26, %swap3A_27] : memref<8x10000xf32, #tpu.memory_space<vmem>>, vector<1x10000xf32>
    tpu.vector_store %arg3[%swap3A_26, %swap3A_27], %add3A_25 {strides = array<i32>} : memref<8x10000xf32, #tpu.memory_space<vmem>>, vector<1x10000xf32>,
    return
  }
  func.func @transform_0(%arg0: i32) -> (i32, i32) {
    %c0_i32 = arith.constant 0 : i32
    %c0_i32_0 = arith.constant 0 : i32
    return %arg0, %c0_i32 : i32, i32
  }
  func.func @transform_1(%arg0: i32) -> (i32, i32) {
    %c0_i32 = arith.constant 0 : i32
    %c0_i32_0 = arith.constant 0 : i32
    %c0_i32_1 = arith.constant 0 : i32
    return %c0_i32, %c0_i32_0 : i32, i32
  }
  func.func @transform_2(%arg0: i32) -> (i32, i32) {
    %c0_i32 = arith.constant 0 : i32
    %c0_i32_0 = arith.constant 0 : i32
    %c0_i32_1 = arith.constant 0 : i32
    return %c0_i32, %c0_i32_0 : i32, i32
  }
}

module attributes {stable_mosaic.version = 14 : i64} {
  func.func @_dnorm_body(%arg0: i32, %arg1: memref<400x256xf32, #tpu.memory_space<vmem>>, %arg2: memref<256x10000xf32, #tpu.memory_space<vmem>>, %arg3: memref<8x10000xf32, #tpu.memory_space<vmem>>, %arg4: memref<1x10000xf32, #tpu.memory_space<vmem>>, %arg5: memref<1x10000xf32, #tpu.memory_space<vmem>>, %arg6: memref<400x10000xf32, #tpu.memory_space<vmem>>) attributes {dimension_semantics = [#tpu.dimension_semantics<arbitrary>], iteration_bounds = array<i64: 25>, scalar_prefetch = 0 : i64, scratch_operands = 0 : i64, tpu.core_type = #tpu.core_type<tc>, window_params = [{transform_indices = @transform_0, window_bounds = array<i64: 400, 256>}, {pipeline_mode = #tpu.pipeline_mode<synchronous>, transform_indices = @transform_1, window_bounds = array<i64: 256, 10000>}, {pipeline_mode = #tpu.pipeline_mode<synchronous>, transform_indices = @transform_2, window_bounds = array<i64: 8, 10000>}, {pipeline_mode = #tpu.pipeline_mode<synchronous>, transform_indices = @transform_3, window_bounds = array<i64: 1, 10000>}, {pipeline_mode = #tpu.pipeline_mode<synchronous>, transform_indices = @transform_4, window_bounds = array<i64: 1, 10000>}, {transform_indices = @transform_5, window_bounds = array<i64: 400, 10000>}]} {
    %get3A = arith.constant 0 : index
    %get3A_0 = arith.constant 0 : index
    %get3A_1 = vector.load %arg3[%get3A, %get3A_0] : memref<8x10000xf32, #tpu.memory_space<vmem>>, vector<1x10000xf32>
    %mul3A = arith.constant 9.99999974E-5 : f32
    %mul3A_2 = vector.broadcast %mul3A : f32 to vector<1x10000xf32>
    %mul3A_3 = arith.mulf %get3A_1, %mul3A_2 : vector<1x10000xf32>
    %get3A_4 = arith.constant 1 : index
    %get3A_5 = arith.constant 0 : index
    %get3A_6 = vector.load %arg3[%get3A_4, %get3A_5] : memref<8x10000xf32, #tpu.memory_space<vmem>>, vector<1x10000xf32>
    %mul3A_7 = arith.constant 9.99999974E-5 : f32
    %mul3A_8 = vector.broadcast %mul3A_7 : f32 to vector<1x10000xf32>
    %mul3A_9 = arith.mulf %get3A_6, %mul3A_8 : vector<1x10000xf32>
    %mul3A_10 = arith.mulf %mul3A_3, %mul3A_3 : vector<1x10000xf32>
    %sub3A = arith.subf %mul3A_9, %mul3A_10 : vector<1x10000xf32>
    %add3A = arith.constant 9.99999974E-6 : f32
    %add3A_11 = vector.broadcast %add3A : f32 to vector<1x10000xf32>
    %add3A_12 = arith.addf %sub3A, %add3A_11 : vector<1x10000xf32>
    %rsqrt3A = math.rsqrt %add3A_12 : vector<1x10000xf32>
    %get3A_13 = arith.constant 0 : index
    %get3A_14 = arith.constant 0 : index
    %get3A_15 = vector.load %arg4[%get3A_13, %get3A_14] : memref<1x10000xf32, #tpu.memory_space<vmem>>, vector<1x10000xf32>
    %mul3A_16 = arith.mulf %rsqrt3A, %get3A_15 : vector<1x10000xf32>
    %get3A_17 = arith.constant 0 : index
    %get3A_18 = arith.constant 0 : index
    %get3A_19 = vector.load %arg1[%get3A_17, %get3A_18] : memref<400x256xf32, #tpu.memory_space<vmem>>, vector<400x256xf32>
    %get3A_20 = arith.constant 0 : index
    %get3A_21 = arith.constant 0 : index
    %get3A_22 = vector.load %arg2[%get3A_20, %get3A_21] : memref<256x10000xf32, #tpu.memory_space<vmem>>, vector<256x10000xf32>
    %dot_general3A = arith.constant dense<0.000000e+00> : vector<400x10000xf32>
    %dot_general3A_23 = tpu.matmul %get3A_19, %get3A_22, %dot_general3A {dimension_numbers = #tpu.dot_dimension_numbers<[1], [0], [0], [1], [0, 0, 1, 1], [], []>, transpose_lhs_hint = false} : vector<400x256xf32>, vector<256x10000xf32>, vector<400x10000xf32> -> vector<400x10000xf32>
    %logistic3A = arith.negf %dot_general3A_23 : vector<400x10000xf32>
    %logistic3A_24 = math.exp %logistic3A : vector<400x10000xf32>
    %logistic3A_25 = arith.constant 1.000000e+00 : f32
    %logistic3A_26 = vector.broadcast %logistic3A_25 : f32 to vector<400x10000xf32>
    %logistic3A_27 = arith.addf %logistic3A_26, %logistic3A_24 : vector<400x10000xf32>
    %logistic3A_28 = arith.divf %logistic3A_26, %logistic3A_27 : vector<400x10000xf32>
    %sub3A_29 = vector.broadcast %mul3A_3 : vector<1x10000xf32> to vector<400x10000xf32>
    %sub3A_30 = arith.subf %logistic3A_28, %sub3A_29 : vector<400x10000xf32>
    %mul3A_31 = vector.broadcast %mul3A_16 : vector<1x10000xf32> to vector<400x10000xf32>
    %mul3A_32 = arith.mulf %sub3A_30, %mul3A_31 : vector<400x10000xf32>
    %get3A_33 = arith.constant 0 : index
    %get3A_34 = arith.constant 0 : index
    %get3A_35 = vector.load %arg5[%get3A_33, %get3A_34] : memref<1x10000xf32, #tpu.memory_space<vmem>>, vector<1x10000xf32>
    %add3A_36 = vector.broadcast %get3A_35 : vector<1x10000xf32> to vector<400x10000xf32>
    %add3A_37 = arith.addf %mul3A_32, %add3A_36 : vector<400x10000xf32>
    %swap3A = arith.constant 0 : index
    %swap3A_38 = arith.constant 0 : index
    %swap3A_39 = vector.load %arg6[%swap3A, %swap3A_38] : memref<400x10000xf32, #tpu.memory_space<vmem>>, vector<400x10000xf32>
    tpu.vector_store %arg6[%swap3A, %swap3A_38], %add3A_37 {strides = array<i32>} : memref<400x10000xf32, #tpu.memory_space<vmem>>, vector<400x10000xf32>,
    return
  }
  func.func @transform_0(%arg0: i32) -> (i32, i32) {
    %c0_i32 = arith.constant 0 : i32
    %c0_i32_0 = arith.constant 0 : i32
    return %arg0, %c0_i32 : i32, i32
  }
  func.func @transform_1(%arg0: i32) -> (i32, i32) {
    %c0_i32 = arith.constant 0 : i32
    %c0_i32_0 = arith.constant 0 : i32
    %c0_i32_1 = arith.constant 0 : i32
    return %c0_i32, %c0_i32_0 : i32, i32
  }
  func.func @transform_2(%arg0: i32) -> (i32, i32) {
    %c0_i32 = arith.constant 0 : i32
    %c0_i32_0 = arith.constant 0 : i32
    %c0_i32_1 = arith.constant 0 : i32
    return %c0_i32, %c0_i32_0 : i32, i32
  }
  func.func @transform_3(%arg0: i32) -> (i32, i32) {
    %c0_i32 = arith.constant 0 : i32
    %c0_i32_0 = arith.constant 0 : i32
    %c0_i32_1 = arith.constant 0 : i32
    return %c0_i32, %c0_i32_0 : i32, i32
  }
  func.func @transform_4(%arg0: i32) -> (i32, i32) {
    %c0_i32 = arith.constant 0 : i32
    %c0_i32_0 = arith.constant 0 : i32
    %c0_i32_1 = arith.constant 0 : i32
    return %c0_i32, %c0_i32_0 : i32, i32
  }
  func.func @transform_5(%arg0: i32) -> (i32, i32) {
    %c0_i32 = arith.constant 0 : i32
    %c0_i32_0 = arith.constant 0 : i32
    return %arg0, %c0_i32 : i32, i32
  }
}

module attributes {stable_mosaic.version = 14 : i64} {
  func.func @_enc2_body(%arg0: memref<20000x128xf32, #tpu.memory_space<vmem>>, %arg1: memref<10000x128xf32, #tpu.memory_space<vmem>>, %arg2: memref<256x64xf32, #tpu.memory_space<vmem>>, %arg3: memref<1x64xf32, #tpu.memory_space<vmem>>, %arg4: memref<1x64xf32, #tpu.memory_space<vmem>>, %arg5: memref<1x64xf32, #tpu.memory_space<vmem>>, %arg6: memref<10000x64xf32, #tpu.memory_space<vmem>>) attributes {dimension_semantics = [], scalar_prefetch = 0 : i64, scratch_operands = 0 : i64, tpu.core_type = #tpu.core_type<tc>} {
    %get3A = arith.constant 0 : index
    %get3A_0 = arith.constant 0 : index
    %get3A_1 = vector.load %arg1[%get3A, %get3A_0] : memref<10000x128xf32, #tpu.memory_space<vmem>>, vector<10000x1xf32>
    %max3A = arith.constant 1.000000e+00 : f32
    %max3A_2 = vector.broadcast %max3A : f32 to vector<10000x1xf32>
    %max3A_3 = arith.maximumf %get3A_1, %max3A_2 : vector<10000x1xf32>
    %div3A = arith.constant 1.000000e+00 : f32
    %div3A_4 = vector.broadcast %div3A : f32 to vector<10000x1xf32>
    %div3A_5 = arith.divf %div3A_4, %max3A_3 : vector<10000x1xf32>
    %get3A_6 = arith.constant 0 : index
    %get3A_7 = arith.constant 0 : index
    %get3A_8 = vector.load %arg0[%get3A_6, %get3A_7] : memref<20000x128xf32, #tpu.memory_space<vmem>>, vector<10000x128xf32>
    %mul3A = vector.broadcast %div3A_5 : vector<10000x1xf32> to vector<10000x128xf32>
    %mul3A_9 = arith.mulf %get3A_8, %mul3A : vector<10000x128xf32>
    %get3A_10 = arith.constant 0 : index
    %get3A_11 = arith.constant 0 : index
    %get3A_12 = vector.load %arg2[%get3A_10, %get3A_11] : memref<256x64xf32, #tpu.memory_space<vmem>>, vector<128x64xf32>
    %dot_general3A = arith.constant dense<0.000000e+00> : vector<10000x64xf32>
    %dot_general3A_13 = tpu.matmul %mul3A_9, %get3A_12, %dot_general3A {dimension_numbers = #tpu.dot_dimension_numbers<[1], [0], [0], [1], [0, 0, 1, 1], [], []>, transpose_lhs_hint = false} : vector<10000x128xf32>, vector<128x64xf32>, vector<10000x64xf32> -> vector<10000x64xf32>
    %get3A_14 = arith.constant 10000 : index
    %get3A_15 = arith.constant 0 : index
    %get3A_16 = vector.load %arg0[%get3A_14, %get3A_15] : memref<20000x128xf32, #tpu.memory_space<vmem>>, vector<10000x128xf32>
    %mul3A_17 = vector.broadcast %div3A_5 : vector<10000x1xf32> to vector<10000x128xf32>
    %mul3A_18 = arith.mulf %get3A_16, %mul3A_17 : vector<10000x128xf32>
    %get3A_19 = arith.constant 128 : index
    %get3A_20 = arith.constant 0 : index
    %get3A_21 = vector.load %arg2[%get3A_19, %get3A_20] : memref<256x64xf32, #tpu.memory_space<vmem>>, vector<128x64xf32>
    %dot_general3A_22 = arith.constant dense<0.000000e+00> : vector<10000x64xf32>
    %dot_general3A_23 = tpu.matmul %mul3A_18, %get3A_21, %dot_general3A_22 {dimension_numbers = #tpu.dot_dimension_numbers<[1], [0], [0], [1], [0, 0, 1, 1], [], []>, transpose_lhs_hint = false} : vector<10000x128xf32>, vector<128x64xf32>, vector<10000x64xf32> -> vector<10000x64xf32>
    %add3A = arith.addf %dot_general3A_13, %dot_general3A_23 : vector<10000x64xf32>
    %get3A_24 = arith.constant 0 : index
    %get3A_25 = arith.constant 0 : index
    %get3A_26 = vector.load %arg3[%get3A_24, %get3A_25] : memref<1x64xf32, #tpu.memory_space<vmem>>, vector<1x64xf32>
    %add3A_27 = vector.broadcast %get3A_26 : vector<1x64xf32> to vector<10000x64xf32>
    %add3A_28 = arith.addf %add3A, %add3A_27 : vector<10000x64xf32>
    %tanh3A = math.tanh %add3A_28 : vector<10000x64xf32>
    %reduce_sum3A = arith.constant dense<0.000000e+00> : vector<64xf32>
    %reduce_sum3A_29 = vector.multi_reduction <add>, %tanh3A, %reduce_sum3A [0] : vector<10000x64xf32> to vector<64xf32>
    %broadcast_in_dim3A = vector.shape_cast %reduce_sum3A_29 : vector<64xf32> to vector<1x64xf32>
    %div3A_30 = arith.constant 1.000000e+04 : f32
    %div3A_31 = vector.broadcast %div3A_30 : f32 to vector<1x64xf32>
    %div3A_32 = arith.divf %broadcast_in_dim3A, %div3A_31 : vector<1x64xf32>
    %sub3A = vector.broadcast %div3A_32 : vector<1x64xf32> to vector<10000x64xf32>
    %sub3A_33 = arith.subf %tanh3A, %sub3A : vector<10000x64xf32>
    %square3A = arith.mulf %sub3A_33, %sub3A_33 : vector<10000x64xf32>
    %reduce_sum3A_34 = arith.constant dense<0.000000e+00> : vector<64xf32>
    %reduce_sum3A_35 = vector.multi_reduction <add>, %square3A, %reduce_sum3A_34 [0] : vector<10000x64xf32> to vector<64xf32>
    %broadcast_in_dim3A_36 = vector.shape_cast %reduce_sum3A_35 : vector<64xf32> to vector<1x64xf32>
    %div3A_37 = arith.constant 1.000000e+04 : f32
    %div3A_38 = vector.broadcast %div3A_37 : f32 to vector<1x64xf32>
    %div3A_39 = arith.divf %broadcast_in_dim3A_36, %div3A_38 : vector<1x64xf32>
    %sub3A_40 = vector.broadcast %div3A_32 : vector<1x64xf32> to vector<10000x64xf32>
    %sub3A_41 = arith.subf %tanh3A, %sub3A_40 : vector<10000x64xf32>
    %add3A_42 = arith.constant 9.99999974E-6 : f32
    %add3A_43 = vector.broadcast %add3A_42 : f32 to vector<1x64xf32>
    %add3A_44 = arith.addf %div3A_39, %add3A_43 : vector<1x64xf32>
    %rsqrt3A = math.rsqrt %add3A_44 : vector<1x64xf32>
    %mul3A_45 = vector.broadcast %rsqrt3A : vector<1x64xf32> to vector<10000x64xf32>
    %mul3A_46 = arith.mulf %sub3A_41, %mul3A_45 : vector<10000x64xf32>
    %get3A_47 = arith.constant 0 : index
    %get3A_48 = arith.constant 0 : index
    %get3A_49 = vector.load %arg4[%get3A_47, %get3A_48] : memref<1x64xf32, #tpu.memory_space<vmem>>, vector<1x64xf32>
    %mul3A_50 = vector.broadcast %get3A_49 : vector<1x64xf32> to vector<10000x64xf32>
    %mul3A_51 = arith.mulf %mul3A_46, %mul3A_50 : vector<10000x64xf32>
    %get3A_52 = arith.constant 0 : index
    %get3A_53 = arith.constant 0 : index
    %get3A_54 = vector.load %arg5[%get3A_52, %get3A_53] : memref<1x64xf32, #tpu.memory_space<vmem>>, vector<1x64xf32>
    %add3A_55 = vector.broadcast %get3A_54 : vector<1x64xf32> to vector<10000x64xf32>
    %add3A_56 = arith.addf %mul3A_51, %add3A_55 : vector<10000x64xf32>
    %swap3A = arith.constant 0 : index
    %swap3A_57 = arith.constant 0 : index
    %swap3A_58 = vector.load %arg6[%swap3A, %swap3A_57] : memref<10000x64xf32, #tpu.memory_space<vmem>>, vector<10000x64xf32>
    tpu.vector_store %arg6[%swap3A, %swap3A_57], %add3A_56 {strides = array<i32>} : memref<10000x64xf32, #tpu.memory_space<vmem>>, vector<10000x64xf32>,
    return
  }
}

module attributes {stable_mosaic.version = 14 : i64} {
  func.func @_dstats_body(%arg0: i32, %arg1: memref<400x64xf32, #tpu.memory_space<vmem>>, %arg2: memref<64x10000xf32, #tpu.memory_space<vmem>>, %arg3: memref<8x10000xf32, #tpu.memory_space<vmem>>) attributes {dimension_semantics = [#tpu.dimension_semantics<arbitrary>], iteration_bounds = array<i64: 25>, scalar_prefetch = 0 : i64, scratch_operands = 0 : i64, tpu.core_type = #tpu.core_type<tc>, window_params = [{transform_indices = @transform_0, window_bounds = array<i64: 400, 64>}, {pipeline_mode = #tpu.pipeline_mode<synchronous>, transform_indices = @transform_1, window_bounds = array<i64: 64, 10000>}, {pipeline_mode = #tpu.pipeline_mode<synchronous>, transform_indices = @transform_2, window_bounds = array<i64: 8, 10000>}]} {
    %eq3A = arith.constant 0 : i32
    %eq3A_0 = arith.cmpi eq, %arg0, %eq3A : i32
    %convert_element_type3A = arith.extui %eq3A_0 : i1 to i32
    %cond3A = arith.constant 0 : i32
    %cond3A_1 = arith.cmpi ne, %convert_element_type3A, %cond3A : i32
    scf.if %cond3A_1 {
      %broadcast_in_dim3A_29 = arith.constant 0.000000e+00 : f32
      %broadcast_in_dim3A_30 = vector.broadcast %broadcast_in_dim3A_29 : f32 to vector<8x10000xf32>
      %swap3A_31 = arith.constant 0 : index
      %swap3A_32 = arith.constant 0 : index
      %swap3A_33 = vector.load %arg3[%swap3A_31, %swap3A_32] : memref<8x10000xf32, #tpu.memory_space<vmem>>, vector<8x10000xf32>
      tpu.vector_store %arg3[%swap3A_31, %swap3A_32], %broadcast_in_dim3A_30 {strides = array<i32>} : memref<8x10000xf32, #tpu.memory_space<vmem>>, vector<8x10000xf32>,
    } else {
    }
    %get3A = arith.constant 0 : index
    %get3A_2 = arith.constant 0 : index
    %get3A_3 = vector.load %arg1[%get3A, %get3A_2] : memref<400x64xf32, #tpu.memory_space<vmem>>, vector<400x64xf32>
    %get3A_4 = arith.constant 0 : index
    %get3A_5 = arith.constant 0 : index
    %get3A_6 = vector.load %arg2[%get3A_4, %get3A_5] : memref<64x10000xf32, #tpu.memory_space<vmem>>, vector<64x10000xf32>
    %dot_general3A = arith.constant dense<0.000000e+00> : vector<400x10000xf32>
    %dot_general3A_7 = tpu.matmul %get3A_3, %get3A_6, %dot_general3A {dimension_numbers = #tpu.dot_dimension_numbers<[1], [0], [0], [1], [0, 0, 1, 1], [], []>, transpose_lhs_hint = false} : vector<400x64xf32>, vector<64x10000xf32>, vector<400x10000xf32> -> vector<400x10000xf32>
    %logistic3A = arith.negf %dot_general3A_7 : vector<400x10000xf32>
    %logistic3A_8 = math.exp %logistic3A : vector<400x10000xf32>
    %logistic3A_9 = arith.constant 1.000000e+00 : f32
    %logistic3A_10 = vector.broadcast %logistic3A_9 : f32 to vector<400x10000xf32>
    %logistic3A_11 = arith.addf %logistic3A_10, %logistic3A_8 : vector<400x10000xf32>
    %logistic3A_12 = arith.divf %logistic3A_10, %logistic3A_11 : vector<400x10000xf32>
    %get3A_13 = arith.constant 0 : index
    %get3A_14 = arith.constant 0 : index
    %get3A_15 = vector.load %arg3[%get3A_13, %get3A_14] : memref<8x10000xf32, #tpu.memory_space<vmem>>, vector<1x10000xf32>
    %reduce_sum3A = arith.constant dense<0.000000e+00> : vector<10000xf32>
    %reduce_sum3A_16 = vector.multi_reduction <add>, %logistic3A_12, %reduce_sum3A [0] : vector<400x10000xf32> to vector<10000xf32>
    %broadcast_in_dim3A = vector.shape_cast %reduce_sum3A_16 : vector<10000xf32> to vector<1x10000xf32>
    %add3A = arith.addf %get3A_15, %broadcast_in_dim3A : vector<1x10000xf32>
    %swap3A = arith.constant 0 : index
    %swap3A_17 = arith.constant 0 : index
    %swap3A_18 = vector.load %arg3[%swap3A, %swap3A_17] : memref<8x10000xf32, #tpu.memory_space<vmem>>, vector<1x10000xf32>
    tpu.vector_store %arg3[%swap3A, %swap3A_17], %add3A {strides = array<i32>} : memref<8x10000xf32, #tpu.memory_space<vmem>>, vector<1x10000xf32>,
    %get3A_19 = arith.constant 1 : index
    %get3A_20 = arith.constant 0 : index
    %get3A_21 = vector.load %arg3[%get3A_19, %get3A_20] : memref<8x10000xf32, #tpu.memory_space<vmem>>, vector<1x10000xf32>
    %mul3A = arith.mulf %logistic3A_12, %logistic3A_12 : vector<400x10000xf32>
    %reduce_sum3A_22 = arith.constant dense<0.000000e+00> : vector<10000xf32>
    %reduce_sum3A_23 = vector.multi_reduction <add>, %mul3A, %reduce_sum3A_22 [0] : vector<400x10000xf32> to vector<10000xf32>
    %broadcast_in_dim3A_24 = vector.shape_cast %reduce_sum3A_23 : vector<10000xf32> to vector<1x10000xf32>
    %add3A_25 = arith.addf %get3A_21, %broadcast_in_dim3A_24 : vector<1x10000xf32>
    %swap3A_26 = arith.constant 1 : index
    %swap3A_27 = arith.constant 0 : index
    %swap3A_28 = vector.load %arg3[%swap3A_26, %swap3A_27] : memref<8x10000xf32, #tpu.memory_space<vmem>>, vector<1x10000xf32>
    tpu.vector_store %arg3[%swap3A_26, %swap3A_27], %add3A_25 {strides = array<i32>} : memref<8x10000xf32, #tpu.memory_space<vmem>>, vector<1x10000xf32>,
    return
  }
  func.func @transform_0(%arg0: i32) -> (i32, i32) {
    %c0_i32 = arith.constant 0 : i32
    %c0_i32_0 = arith.constant 0 : i32
    return %arg0, %c0_i32 : i32, i32
  }
  func.func @transform_1(%arg0: i32) -> (i32, i32) {
    %c0_i32 = arith.constant 0 : i32
    %c0_i32_0 = arith.constant 0 : i32
    %c0_i32_1 = arith.constant 0 : i32
    return %c0_i32, %c0_i32_0 : i32, i32
  }
  func.func @transform_2(%arg0: i32) -> (i32, i32) {
    %c0_i32 = arith.constant 0 : i32
    %c0_i32_0 = arith.constant 0 : i32
    %c0_i32_1 = arith.constant 0 : i32
    return %c0_i32, %c0_i32_0 : i32, i32
  }
}

module attributes {stable_mosaic.version = 14 : i64} {
  func.func @_dnorm_body(%arg0: i32, %arg1: memref<400x64xf32, #tpu.memory_space<vmem>>, %arg2: memref<64x10000xf32, #tpu.memory_space<vmem>>, %arg3: memref<8x10000xf32, #tpu.memory_space<vmem>>, %arg4: memref<1x10000xf32, #tpu.memory_space<vmem>>, %arg5: memref<1x10000xf32, #tpu.memory_space<vmem>>, %arg6: memref<400x10000xf32, #tpu.memory_space<vmem>>) attributes {dimension_semantics = [#tpu.dimension_semantics<arbitrary>], iteration_bounds = array<i64: 25>, scalar_prefetch = 0 : i64, scratch_operands = 0 : i64, tpu.core_type = #tpu.core_type<tc>, window_params = [{transform_indices = @transform_0, window_bounds = array<i64: 400, 64>}, {pipeline_mode = #tpu.pipeline_mode<synchronous>, transform_indices = @transform_1, window_bounds = array<i64: 64, 10000>}, {pipeline_mode = #tpu.pipeline_mode<synchronous>, transform_indices = @transform_2, window_bounds = array<i64: 8, 10000>}, {pipeline_mode = #tpu.pipeline_mode<synchronous>, transform_indices = @transform_3, window_bounds = array<i64: 1, 10000>}, {pipeline_mode = #tpu.pipeline_mode<synchronous>, transform_indices = @transform_4, window_bounds = array<i64: 1, 10000>}, {transform_indices = @transform_5, window_bounds = array<i64: 400, 10000>}]} {
    %get3A = arith.constant 0 : index
    %get3A_0 = arith.constant 0 : index
    %get3A_1 = vector.load %arg3[%get3A, %get3A_0] : memref<8x10000xf32, #tpu.memory_space<vmem>>, vector<1x10000xf32>
    %mul3A = arith.constant 9.99999974E-5 : f32
    %mul3A_2 = vector.broadcast %mul3A : f32 to vector<1x10000xf32>
    %mul3A_3 = arith.mulf %get3A_1, %mul3A_2 : vector<1x10000xf32>
    %get3A_4 = arith.constant 1 : index
    %get3A_5 = arith.constant 0 : index
    %get3A_6 = vector.load %arg3[%get3A_4, %get3A_5] : memref<8x10000xf32, #tpu.memory_space<vmem>>, vector<1x10000xf32>
    %mul3A_7 = arith.constant 9.99999974E-5 : f32
    %mul3A_8 = vector.broadcast %mul3A_7 : f32 to vector<1x10000xf32>
    %mul3A_9 = arith.mulf %get3A_6, %mul3A_8 : vector<1x10000xf32>
    %mul3A_10 = arith.mulf %mul3A_3, %mul3A_3 : vector<1x10000xf32>
    %sub3A = arith.subf %mul3A_9, %mul3A_10 : vector<1x10000xf32>
    %add3A = arith.constant 9.99999974E-6 : f32
    %add3A_11 = vector.broadcast %add3A : f32 to vector<1x10000xf32>
    %add3A_12 = arith.addf %sub3A, %add3A_11 : vector<1x10000xf32>
    %rsqrt3A = math.rsqrt %add3A_12 : vector<1x10000xf32>
    %get3A_13 = arith.constant 0 : index
    %get3A_14 = arith.constant 0 : index
    %get3A_15 = vector.load %arg4[%get3A_13, %get3A_14] : memref<1x10000xf32, #tpu.memory_space<vmem>>, vector<1x10000xf32>
    %mul3A_16 = arith.mulf %rsqrt3A, %get3A_15 : vector<1x10000xf32>
    %get3A_17 = arith.constant 0 : index
    %get3A_18 = arith.constant 0 : index
    %get3A_19 = vector.load %arg1[%get3A_17, %get3A_18] : memref<400x64xf32, #tpu.memory_space<vmem>>, vector<400x64xf32>
    %get3A_20 = arith.constant 0 : index
    %get3A_21 = arith.constant 0 : index
    %get3A_22 = vector.load %arg2[%get3A_20, %get3A_21] : memref<64x10000xf32, #tpu.memory_space<vmem>>, vector<64x10000xf32>
    %dot_general3A = arith.constant dense<0.000000e+00> : vector<400x10000xf32>
    %dot_general3A_23 = tpu.matmul %get3A_19, %get3A_22, %dot_general3A {dimension_numbers = #tpu.dot_dimension_numbers<[1], [0], [0], [1], [0, 0, 1, 1], [], []>, transpose_lhs_hint = false} : vector<400x64xf32>, vector<64x10000xf32>, vector<400x10000xf32> -> vector<400x10000xf32>
    %logistic3A = arith.negf %dot_general3A_23 : vector<400x10000xf32>
    %logistic3A_24 = math.exp %logistic3A : vector<400x10000xf32>
    %logistic3A_25 = arith.constant 1.000000e+00 : f32
    %logistic3A_26 = vector.broadcast %logistic3A_25 : f32 to vector<400x10000xf32>
    %logistic3A_27 = arith.addf %logistic3A_26, %logistic3A_24 : vector<400x10000xf32>
    %logistic3A_28 = arith.divf %logistic3A_26, %logistic3A_27 : vector<400x10000xf32>
    %sub3A_29 = vector.broadcast %mul3A_3 : vector<1x10000xf32> to vector<400x10000xf32>
    %sub3A_30 = arith.subf %logistic3A_28, %sub3A_29 : vector<400x10000xf32>
    %mul3A_31 = vector.broadcast %mul3A_16 : vector<1x10000xf32> to vector<400x10000xf32>
    %mul3A_32 = arith.mulf %sub3A_30, %mul3A_31 : vector<400x10000xf32>
    %get3A_33 = arith.constant 0 : index
    %get3A_34 = arith.constant 0 : index
    %get3A_35 = vector.load %arg5[%get3A_33, %get3A_34] : memref<1x10000xf32, #tpu.memory_space<vmem>>, vector<1x10000xf32>
    %add3A_36 = vector.broadcast %get3A_35 : vector<1x10000xf32> to vector<400x10000xf32>
    %add3A_37 = arith.addf %mul3A_32, %add3A_36 : vector<400x10000xf32>
    %swap3A = arith.constant 0 : index
    %swap3A_38 = arith.constant 0 : index
    %swap3A_39 = vector.load %arg6[%swap3A, %swap3A_38] : memref<400x10000xf32, #tpu.memory_space<vmem>>, vector<400x10000xf32>
    tpu.vector_store %arg6[%swap3A, %swap3A_38], %add3A_37 {strides = array<i32>} : memref<400x10000xf32, #tpu.memory_space<vmem>>, vector<400x10000xf32>,
    return
  }
  func.func @transform_0(%arg0: i32) -> (i32, i32) {
    %c0_i32 = arith.constant 0 : i32
    %c0_i32_0 = arith.constant 0 : i32
    return %arg0, %c0_i32 : i32, i32
  }
  func.func @transform_1(%arg0: i32) -> (i32, i32) {
    %c0_i32 = arith.constant 0 : i32
    %c0_i32_0 = arith.constant 0 : i32
    %c0_i32_1 = arith.constant 0 : i32
    return %c0_i32, %c0_i32_0 : i32, i32
  }
  func.func @transform_2(%arg0: i32) -> (i32, i32) {
    %c0_i32 = arith.constant 0 : i32
    %c0_i32_0 = arith.constant 0 : i32
    %c0_i32_1 = arith.constant 0 : i32
    return %c0_i32, %c0_i32_0 : i32, i32
  }
  func.func @transform_3(%arg0: i32) -> (i32, i32) {
    %c0_i32 = arith.constant 0 : i32
    %c0_i32_0 = arith.constant 0 : i32
    %c0_i32_1 = arith.constant 0 : i32
    return %c0_i32, %c0_i32_0 : i32, i32
  }
  func.func @transform_4(%arg0: i32) -> (i32, i32) {
    %c0_i32 = arith.constant 0 : i32
    %c0_i32_0 = arith.constant 0 : i32
    %c0_i32_1 = arith.constant 0 : i32
    return %c0_i32, %c0_i32_0 : i32, i32
  }
  func.func @transform_5(%arg0: i32) -> (i32, i32) {
    %c0_i32 = arith.constant 0 : i32
    %c0_i32_0 = arith.constant 0 : i32
    return %arg0, %c0_i32 : i32, i32
  }
}

</mosaic_0001>

<sc_bundles>
// kernel: kernel.10.cloned.1.call-start
scs
__scs_entry_jumppad:
0x0: {  	(pc) =	sbr.rel $0x88, $3  }
0x1: {  	(tag) =	ssettag $0x0;
	lr =	simm.s32 $0x1  }
0x2: {  	[smem:$0x3F95] =	sst lr;
	_ =	strace $0xD0000000  }
0x3: {  	_ = 	snop  }
0x4: {  	_ = 	snop  }
0x5: {  	_ = 	snop  }
0x6: {  	_ = 	snop  }
0x7: {  	_ = 	snop  }
__scs_overlays_trampoline_lowered:
0x8: {  	[smem:$0x3FA4] =	sst s0  }
0x9: {  	[smem:$0x3FA5] =	sst s1  }
0xa: {  	[smem:$0x3FA6] =	sst s2  }
0xb: {  	[smem:$0x3FA7] =	sst s3  }
0xc: {  	[smem:$0x3FA8] =	sst s4  }
0xd: {  	[smem:$0x3FA9] =	sst s5  }
0xe: {  	[smem:$0x3FAA] =	sst s6  }
0xf: {  	[smem:$0x3FAB] =	sst s7  }
0x10: {  	[smem:$0x3FAC] =	sst s8  }
0x11: {  	[smem:$0x3FAD] =	sst s9;
	s0 =	simm.s32 @!p0 $0x0  }
0x12: {  	s1 =	sld [smem:$0x3F93];
	s0 =	simm.s32 @p0 $0x1  }
0x13: {  	[smem:$0x3FAE] =	sst s0;
	s0 =	simm.s32 @!p1 $0x0  }
0x14: {  	s2 =	sld [smem:$0x3F92];
	s0 =	simm.s32 @p1 $0x1  }
0x15: {  	[smem:$0x3FAF] =	sst s0;
	s0 =	simm.s32 @!p2 $0x0  }
0x16: {  	s3 =	sld [smem:$0x3FDB];
	s0 =	simm.s32 @p2 $0x1  }
0x17: {  	s4 =	simm.s32 $0x1BF5;
	[smem:$0x3FB1] =	sst s0  }
0x18: {  	s0 =	sld [smem:$0x3F94];
	_ =	swait.ge [sflag:s4], $0x0  }
0x19: {  	s7 =	sld [smem:$0x3F95]  }
0x1a: {  	s8 =	sadd.s32 $0xFFFFE003, lr  }
0x1b: {  	s9 =	sadd.s32 $0xFFFFFEF7, lr;
	s5 =	simm.s32 $0xFFFFFFFF;
	p2 =	slt.u32 s8, $0xFFFFF086  }
0x1c: {  	p1 =	slt.u32 s9, $0xF7A;
	s5 =	simm.s32 @!p2 $0x0  }
0x1d: {  	s5 =	simm.s32 @p1 $0x1;
	p0 =	seq.s32 s7, s2  }
0x1e: {  	s7 =	smul.u32 @!p0 $0xF7A, s2;
	p2 =	seq.s32 @!p0 s5, $0x0  }
0x1f: {  	s9 =	smul.u32 $0xF7A, s1;
	s8 =	simm.s32 @!p0 $0x1BF5;
	p2 =	por !p2, p0  }
0x20: {  	[sflag:s8] =	ssyncset.s32 @!p0 $0xFFFFF086;
	s6 =	sadd.s32 @!p0 s3, s7;
	s7 =	simm.s32 @!p0 $0x108  }
0x21: {  	s3 =	sadd.s32 s3, s9;
	s6 =	sadd.s32 @!p0 $0x88, s6;
	s7 =	simm.s32 @p2 $0x1082  }
0x22: {  	[simem:s7], [sflag:s8] =	dma.local @!p0 [hbm:s6], $0xF7A  }
0x23: {  	s9 =	sor.u32 $0xD0000000, s2;
	s6 =	simm.s32 $0x108;
	_ =	swait.ge @!p0 [sflag:s8], $0x0  }
0x24: {  	s3 =	sadd.s32 $0x88, s3;
	s6 =	simm.s32 @!p1 $0x1082;
	[sflag:s4] =	ssyncset.s32 $0xFFFFF086  }
0x25: {  	[simem:s6], [sflag:s4] =	dma.local [hbm:s3], $0xF7A  }
0x26: {  	[smem:$0x3F95] =	sst s1;
	(tag) =	ssettag s2;
	_ =	strace s9  }
0x27: {  	s1 =	sld [smem:$0x3FA5]  }
0x28: {  	s2 =	sld [smem:$0x3FA6]  }
0x29: {  	s4 =	sld [smem:$0x3FA8]  }
0x2a: {  	p0 =	seq.s32 s5, $0x0;
	s5 =	sld [smem:$0x3FA9]  }
0x2b: {  	s6 =	sld [smem:$0x3FAA]  }
0x2c: {  	s7 =	sld [smem:$0x3FAB]  }
0x2d: {  	s3 =	simm.s32 $0x108;
	s8 =	sld [smem:$0x3FAC]  }
0x2e: {  	s3 =	simm.s32 @!p0 $0x1082;
	s9 =	sld [smem:$0x3FAD]  }
0x2f: {  	lr =	sadd.s32 s0, s3;
	s0 =	sld [smem:$0x3FA4]  }
0x30: {  	s3 =	sld [smem:$0x3FA7]  }
0x31: {  	[smem:$0x3FB0] =	sst s10  }
0x32: {  	s10 =	sld [smem:$0x3FAE];
	_ =	sdelay $0x3  }
0x33: {  	p0 =	seq.s32 s10, $0x1;
	s10 =	sld [smem:$0x3FB0];
	_ =	sdelay $0x3  }
0x34: {  	[smem:$0x3FB0] =	sst s10  }
0x35: {  	s10 =	sld [smem:$0x3FAF];
	_ =	sdelay $0x3  }
0x36: {  	p1 =	seq.s32 s10, $0x1;
	s10 =	sld [smem:$0x3FB0];
	_ =	sdelay $0x3  }
0x37: {  	[smem:$0x3FB0] =	sst s10  }
0x38: {  	s10 =	sld [smem:$0x3FB1]  }
0x39: {  	_ = 	snop;
	(pc) =	sbr.ind lr, $3  }
0x3a: {  	_ = 	snop  }
0x3b: {  	_ = 	snop  }
0x3c: {  	p2 =	seq.s32 s10, $0x1;
	s10 =	sld [smem:$0x3FB0]  }
0x3d: {  	_ =	shalt  }
0x3e: {  	_ =	shalt  }
0x3f: {  	_ =	shalt  }
0x40: {  	_ =	shalt  }
0x41: {  	_ =	shalt  }
0x42: {  	_ =	shalt  }
0x43: {  	_ =	shalt  }
0x44: {  	_ =	shalt  }
0x45: {  	_ =	shalt  }
0x46: {  	_ =	shalt  }
0x47: {  	_ =	shalt  }
0x48: {  	_ =	shalt  }
0x49: {  	_ =	shalt  }
0x4a: {  	_ =	shalt  }
0x4b: {  	_ =	shalt  }
0x4c: {  	_ =	shalt  }
0x4d: {  	_ =	shalt  }
0x4e: {  	_ =	shalt  }
0x4f: {  	_ =	shalt  }
0x50: {  	_ =	shalt  }
0x51: {  	_ =	shalt  }
0x52: {  	_ =	shalt  }
0x53: {  	_ =	shalt  }
0x54: {  	_ =	shalt  }
0x55: {  	_ =	shalt  }
0x56: {  	_ =	shalt  }
0x57: {  	_ =	shalt  }
0x58: {  	_ =	shalt  }
0x59: {  	_ =	shalt  }
0x5a: {  	_ =	shalt  }
0x5b: {  	_ =	shalt  }
0x5c: {  	_ =	shalt  }
0x5d: {  	_ =	shalt  }
0x5e: {  	_ =	shalt  }
0x5f: {  	_ =	shalt  }
0x60: {  	_ =	shalt  }
0x61: {  	_ =	shalt  }
0x62: {  	_ =	shalt  }
0x63: {  	_ =	shalt  }
0x64: {  	_ =	shalt  }
0x65: {  	_ =	shalt  }
0x66: {  	_ =	shalt  }
0x67: {  	_ =	shalt  }
0x68: {  	_ =	shalt  }
0x69: {  	_ =	shalt  }
0x6a: {  	_ =	shalt  }
0x6b: {  	_ =	shalt  }
0x6c: {  	_ =	shalt  }
0x6d: {  	_ =	shalt  }
0x6e: {  	_ =	shalt  }
0x6f: {  	_ =	shalt  }
0x70: {  	_ =	shalt  }
0x71: {  	_ =	shalt  }
0x72: {  	_ =	shalt  }
0x73: {  	_ =	shalt  }
0x74: {  	_ =	shalt  }
0x75: {  	_ =	shalt  }
0x76: {  	_ =	shalt  }
0x77: {  	_ =	shalt  }
0x78: {  	_ =	shalt  }
0x79: {  	_ =	shalt  }
0x7a: {  	_ =	shalt  }
0x7b: {  	_ =	shalt  }
0x7c: {  	_ =	shalt  }
0x7d: {  	_ =	shalt  }
0x7e: {  	_ =	shalt  }
0x7f: {  	_ =	shalt  }
0x80: {  	_ =	shalt  }
0x81: {  	_ =	shalt  }
0x82: {  	_ =	shalt  }
0x83: {  	_ =	shalt  }
0x84: {  	_ =	shalt  }
0x85: {  	_ =	shalt  }
0x86: {  	_ =	shalt  }
0x87: {  	_ =	shalt  }
.Lfunc_end0:
.L_simem_size_0:
called_computation_lowered:
.L_overlay_start_0:
0x88: {  	s2 =	sld [smem:$0x3FD9]  }
0x89: {  	s3 =	sld [smem:$0x3FFE];
	_ =	sdelay $0x1  }
0x8a: {  	s1 =	srdreg.scid  }
0x8b: {  	s0 =	sand.u32 $0x1, s1  }
0x8c: {  	s14 =	sshll.u32 s0, $0xA;
	s2 =	sadd.s32 s3, s2  }
0x8d: {  	s2 =	sadd.s32 s2, s14  }
0x8e: {  	[smem:$0x3FBC] =	sst s2  }
0x8f: {  	_ = 	snop  }
0x90: {  	s2 =	sld [smem:$0x3FD0];
	_ =	sdelay $0x2  }
0x91: {  	s4 =	simm.s32 $0xA;
	s5 =	simm.s32 $0x10;
	s15 =	sld [smem:$0x3FC9]  }
0x92: {  	[smem:s5], [sflag:s4] =	dma.local [hbm:s2], $0x1  }
0x93: {  	_ =	swait.eq [sflag:s4], $0x1  }
0x94: {  	s16 =	sld [smem:$0x10];
	[sflag:s4] =	ssyncset.done $0x0  }
0x95: {  	s17 =	sld [smem:$0x11];
	[sflag:s4] =	ssyncadd.s32 $0xFFFFFFFF  }
0x96: {  	s18 =	sld [smem:$0x12];
	(tm) =	ssettm $0x1  }
0x97: {  	s6 =	sld [smem:$0x3FFB];
	_ =	sdelay $0x3  }
0x98: {  	_ =	strace s6  }
0x99: {  	s6 =	sld [smem:$0x3FFC];
	_ =	sdelay $0x3  }
0x9a: {  	_ =	strace s6  }
0x9b: {  	s6 =	sld [smem:$0x3FFD];
	_ =	sdelay $0x3  }
0x9c: {  	_ =	strace s6  }
0x9d: {  	_ =	strace $0x8FFFFFFF  }
0x9e: {  	s19 =	sld [smem:$0x3FDB];
	_ =	sdelay $0x1  }
0x9f: {  	s7 =	simm.s32 $_scs_section_size  }
0xa0: {  	s8 =	simm.s32 $_size__tile_overlayer_lowered;
	s9 =	simm.s32 $_tile_overlayer_lowered  }
0xa1: {  	s22 =	simm.s32 $0x1BFF;
	s21 =	sshll.u32 s9, $0x1;
	s6 =	sadd.s32 s7, s19  }
0xa2: {  	s10 =	simm.s32 $0x0;
	s20 =	sshll.u32 s8, $0x1;
	s8 =	sadd.s32 s21, s6  }
0xa3: {  	[timem:s10], [sflag:s22] =	dma.local [hbm:s8], s20  }
0xa4: {  	_ =	swait.ge [sflag:s22], s20  }
0xa5: {  	s7 =	ssub.s32 $0x0, s20;
	[sflag:s22] =	ssyncset.done $0x0  }
0xa6: {  	[sflag:s22] =	ssyncadd.s32 s7;
	_ =	sdelay $0x1  }
0xa7: {  	s23 =	simm.s32 $0x1B8B  }
0xa8: {  	_ =	swait.ge [sflag:s23], $0x1  }
0xa9: {  	[sflag:s23] =	ssyncset.done $0x0  }
0xaa: {  	s25 =	simm.s32 $0x1B8E;
	s24 =	sld [smem:$0x3FFE];
	[sflag:s23] =	ssyncadd.s32 $0xFFFFFFFF  }
0xab: {  	s26 =	simm.s32 $execute0_lowered;
	[smem:$0x3FD2] =	sst s25  }
0xac: {  	s8 =	sshll.u32 s26, $0x1;
	_ =	strace $0x80000046;
	[dreg:$0x1] =	wrdreg $0xFFFFFFFF  }
0xad: {  	s28 =	simm.s32 $_size_execute0_lowered;
	s6 =	sadd.s32 s6, s8;
	[dreg:$0x0] =	wrdreg $0x0  }
0xae: {  	s8 =	sshll.u32 s28, $0x1;
	[dreg:$0x2] =	wrdreg s6  }
0xaf: {  	[dreg:$0x3] =	wrdreg s8  }
0xb0: {  	[dreg:$0x4] =	wrdreg $0xC0  }
0xb1: {  	_ =	task [dreg:s10], $0x5FFFF  }
0xb2: {  	[dreg:$0x1] =	wrdreg $0xFFFFFFFF  }
0xb3: {  	[dreg:$0x0] =	wrdreg $0x60  }
0xb4: {  	[dreg:$0x2] =	wrdreg s16  }
0xb5: {  	[dreg:$0x3] =	wrdreg s24  }
0xb6: {  	[dreg:$0x4] =	wrdreg s15  }
0xb7: {  	[dreg:$0x5] =	wrdreg s17  }
0xb8: {  	[dreg:$0x6] =	wrdreg s18  }
0xb9: {  	[dreg:$0x7] =	wrdreg $0x81000  }
0xba: {  	[dreg:$0x8] =	wrdreg $0x9  }
0xbb: {  	_ =	task.clear_ibuf [dreg:s10], $0x9FFFF;
	_ =	strace $0x90000046  }
0xbc: {  	s29 =	simm.s32 $0x9;
	_ =	strace $0x80000048  }
0xbd: {  	_ =	swait.ge [sflag:s29], $0x1  }
0xbe: {  	[sflag:s29] =	ssyncadd.s32 $0xFFFFFFFF  }
0xbf: {  	_ =	strace $0x90000048  }
0xc0: {  	_ =	sfence  }
0xc1: {  	s30 =	sld [smem:$0x0];
	_ =	sdelay $0x2  }
0xc2: {  	s31 =	sshll.u32 s1, $0xD;
	s1 =	sshrl.u32 s1, $0x2  }
0xc3: {  	s3 =	sand.u32 $0x4000, s31;
	s1 =	sadd.s32 s1, s30  }
0xc4: {  	s0 =	sor.u32 s3, s0;
	s1 =	sshll.u32 s1, $0x11  }
0xc5: {  	s0 =	sor.u32 s1, s0  }
0xc6: {  	s0 =	sadd.s32 $0x8F2B, s0  }
0xc7: {  	[sflag:s0] =	ssyncadd.remote.s32 $0x1  }
0xc8: {  	_ =	sfence.sel $0xFFFF  }
0xc9: {  	[dreg:$0x0] =	wrdreg $0xFFFFFFFF;
	(pc) =	sbr.abs _section_cstart, $3  }
0xca: {  	[dreg:$0x1] =	wrdreg $0xFFFFFFFF  }
0xcb: {  	_ =	task.clear_ibuf [dreg:s10], $0x2FFFF;
	_ =	strace $0x9FFFFFFF  }
0xcc: {  	(tm) =	ssettm $0x7FFFFFFF  }
0xcd: {  	_ =	shalt  }
tec
execute0_lowered:
.L_overlay_start_1:
0x0: {  	(tag) =	ssettag $0x1  }
0x1: {  	s14 =	rddreg [dreg:$0x0]  }
0x2: {  	s6 =	rddreg [dreg:$0x1]  }
0x3: {  	s0 =	rddreg [dreg:$0x2]  }
0x4: {  	s1 =	rddreg [dreg:$0x3]  }
0x5: {  	s2 =	srdreg.scid;
	s9 =	rddreg [dreg:$0x4]  }
0x6: {  	s15 =	stileid.u32;
	s3 =	rddreg [dreg:$0x5]  }
0x7: {  	s4 =	simm.s32 $0x0;
	s20 =	simm.s32 $0x100;
	s8 =	smul.u32 $0x5000, s15  }
0x8: {  	s21 =	simm.s32 $0x1;
	s22 =	simm.s32 $0x0;
	s10 =	smul.u32 $0x138, s15  }
0x9: {  	s7 =	sand.u32 $0x1, s2;
	s2 =	rddreg [dreg:$0x6];
	s12 =	smul.u32 $0x27000, s15  }
0xa: {  	[smem:$0x7FF] =	sst s4;
	s16 =	sadd.s32 $0x19200, s6;
	s19 =	smul.u32 $0xA00, s15  }
0xb: {  	s29 =	sshll.u32 s15, $0x6;
	s18 =	sadd.s32 $0x9C000, s3;
	s5 =	smul.u32 $0x50000, s7  }
0xc: {  	p0 =	sne.s32 s15, $0x0;
	_ =	strace $0x80000047;
	s26 =	smul.u32 $0x1388, s7  }
0xd: {  	s25 =	ssub.s32 $0x2, s7;
	s30 =	smul.u32 $0x9C400, s7;
	s7 =	sor.u32 $0x1C02, s29  }
0xe: {  	s11 =	sshrl.u32 s25, $0x1;
	s28 =	sshrl.u32 s12, $0x2;
	s14 =	sadd.s32 s19, s14  }
0xf: {  	s19 =	simm.s32 $0x80;
	s5 =	sadd.s32 s8, s5;
	s17 =	ssub.s32 s25, s11  }
0x10: {  	s8 =	sadd.s32 s10, s26;
	s31 =	sshrl.u32 s30, $0x3;
	s5 =	sshrl.u32 s5, $0x3  }
0x11: {  	s10 =	sshll.u32 s8, $0x4;
	s11 =	sadd.s32 $0x13800, s31;
	s12 =	smax.u32 s17, $0x1  }
0x12: {  	s17 =	sshrl.u32 @!p0 s18, $0x3;
	s18 =	simm.s32 $0x4100;
	s13 =	sadd.s32 s5, s6  }
0x13: {  	s5 =	sadd.s32 $0x16A00, s6;
	s6 =	sadd.s32 s28, s3;
	s8 =	sadd.s32 s9, s10  }
0x14: {  	s9 =	sadd.s32 s9, s11;
	s10 =	sadd.s32 s16, s10;
	s11 =	sadd.s32 s16, s11  }
0x15: {  	s16 =	simm.s32 $0x2;
	s13 =	sadd.s32 $0x2A00, s13;
	s15 =	sshrl.u32 s6, $0x3  }
.LBB2_1:
0x16: {  	[spmem:s15], [sflag:s7] =	dma.local [hbm:s5], $0x1380  }
0x17: {  	_ =	swait.ge [sflag:s16], $0x1380  }
0x18: {  	[sflag:s16] =	ssyncset.done $0x0  }
0x19: {  	s23 =	simm.s32 @!p0 $0x2;
	[sflag:s16] =	ssyncadd.s32 $0xFFFFEC80  }
0x1a: {  	[spmem:s17], [sflag:s7] =	dma.local @!p0 [hbm:s5], $0x100  }
0x1b: {  	_ =	swait.ge @!p0 [sflag:s23], $0x100  }
0x1c: {  	[sflag:s23] =	ssyncset.done @!p0 $0x0  }
0x1d: {  	[sflag:s23] =	ssyncadd.s32 @!p0 $0xFFFFFF00  }
0x1e: {  	[tilespmem:s18], [sflag:$0x2] =	stream.linear.gather [hbm4b:s1+s4], $0x4000, $0x38;
	[tilespmem:$0x11D80] =	vst v63  }
0x1f: {  	_ =	swait.ge [sflag:s16], $0x4000  }
0x20: {  	[sflag:s16] =	ssyncset.done $0x0  }
0x21: {  	[sflag:s16] =	ssyncadd.s32 $0xFFFFC000  }
0x22: {  	s30 =	sadd.s32 $0x0, s14;
	[bflag:$0x0] =	sbarrier.arrive $0xFFFF  }
0x23: {  	[tilespmem:s4], [sflag:$0x2] =	stream.linear.gather [hbm4b:s30+s4], $0x80, $0x38;
	[tilespmem:$0x11D80] =	vst v63  }
0x24: {  	_ =	swait.ge [sflag:s16], $0x80  }
0x25: {  	[sflag:s16] =	ssyncset.done $0x0  }
0x26: {  	s31 =	sadd.s32 $0x0, s13;
	[sflag:s16] =	ssyncadd.s32 $0xFFFFFF80  }
0x27: {  	[tilespmem:s19], [sflag:$0x2] =	stream.linear.gather [hbm4b:s31+s4], $0x80, $0x38;
	[tilespmem:$0x11D80] =	vst v63  }
0x28: {  	_ =	swait.ge [sflag:s16], $0x80  }
0x29: {  	[sflag:s16] =	ssyncset.done $0x0  }
0x2a: {  	[sflag:s16] =	ssyncadd.s32 $0xFFFFFF80  }
0x2b: {  	[tilespmem:s20], [sflag:$0x1] =	stream.indirect.gather [hbm4b:s0+s19], $0x80, s4, s19, $0xb8;
	[tilespmem:$0x11D80] =	vst v63  }
0x2c: {  	_ =	swait.ge [sflag:s21], $0x4000  }
0x2d: {  	[sflag:s21] =	ssyncset.done $0x0  }
0x2e: {  	[sflag:s21] =	ssyncadd.s32 $0xFFFFC000  }
0x2f: {  	[spmem:s3] =	stream.indirect.scatter.add.f32 [tilespmem:s20], [sflag:$0x2], $0x80, s19, s19, $0xb8;
	[tilespmem:$0x11D80] =	vst v63  }
0x30: {  	_ =	swait.ge [sflag:s16], $0x4000  }
0x31: {  	s24 =	simm.s32 $0x20;
	s23 =	simm.s32 $0x10;
	[sflag:s16] =	ssyncset.done $0x0  }
.LBB2_2:
0x32: {  	s25 =	sadd.s32 s23, s14  }
0x33: {  	[sflag:s16] =	ssyncadd.s32 $0xFFFFC000;
	s26 =	smov.u32 s24;
	s28 =	sadd.s32 $0x10, s24  }
0x34: {  	[tilespmem:s4], [sflag:$0x2] =	stream.linear.gather [hbm4b:s25+s4], $0x80, $0x38;
	[tilespmem:$0x11D80] =	vst v63  }
0x35: {  	p1 =	sne.s32 s24, $0x9F0;
	_ =	swait.ge [sflag:s16], $0x80  }
0x36: {  	[sflag:s16] =	ssyncset.done $0x0  }
0x37: {  	s24 =	sadd.s32 s23, s13;
	s23 =	smov.u32 s26;
	[sflag:s16] =	ssyncadd.s32 $0xFFFFFF80  }
0x38: {  	[tilespmem:s19], [sflag:$0x2] =	stream.linear.gather [hbm4b:s24+s4], $0x80, $0x38;
	[tilespmem:$0x11D80] =	vst v63  }
0x39: {  	_ =	swait.ge [sflag:s16], $0x80  }
0x3a: {  	[sflag:s16] =	ssyncset.done $0x0  }
0x3b: {  	[sflag:s16] =	ssyncadd.s32 $0xFFFFFF80  }
0x3c: {  	[tilespmem:s20], [sflag:$0x1] =	stream.indirect.gather [hbm4b:s0+s19], $0x80, s4, s19, $0xb8;
	[tilespmem:$0x11D80] =	vst v63  }
0x3d: {  	_ =	swait.ge [sflag:s21], $0x4000  }
.Ltmp0:
0x3e: {  	[sflag:s21] =	ssyncset.done $0x0;
	(pc) =	sbr.rel @p1 .LBB2_2-.Ltmp0, $4  }
0x3f: {  	[sflag:s21] =	ssyncadd.s32 $0xFFFFC000  }
0x40: {  	[spmem:s3] =	stream.indirect.scatter.add.f32 [tilespmem:s20], [sflag:$0x2], $0x80, s19, s19, $0xb8;
	[tilespmem:$0x11D80] =	vst v63  }
0x41: {  	_ =	swait.ge [sflag:s16], $0x4000  }
0x42: {  	s24 =	smov.u32 s28;
	[sflag:s16] =	ssyncset.done $0x0  }
0x43: {  	s24 =	sadd.s32 s23, s14;
	[sflag:s16] =	ssyncadd.s32 $0xFFFFC000  }
0x44: {  	[tilespmem:s4], [sflag:$0x2] =	stream.linear.gather [hbm4b:s24+s4], $0x80, $0x38;
	[tilespmem:$0x11D80] =	vst v63  }
0x45: {  	_ =	swait.ge [sflag:s16], $0x80  }
0x46: {  	[sflag:s16] =	ssyncset.done $0x0  }
0x47: {  	s30 =	sadd.s32 s23, s13;
	[sflag:s16] =	ssyncadd.s32 $0xFFFFFF80  }
0x48: {  	[tilespmem:s19], [sflag:$0x2] =	stream.linear.gather [hbm4b:s30+s4], $0x80, $0x38;
	[tilespmem:$0x11D80] =	vst v63  }
0x49: {  	_ =	swait.ge [sflag:s16], $0x80  }
0x4a: {  	[sflag:s16] =	ssyncset.done $0x0  }
0x4b: {  	[sflag:s16] =	ssyncadd.s32 $0xFFFFFF80  }
0x4c: {  	[tilespmem:s20], [sflag:$0x1] =	stream.indirect.gather [hbm4b:s0+s19], $0x80, s4, s19, $0xb8;
	[tilespmem:$0x11D80] =	vst v63  }
0x4d: {  	_ =	swait.ge [sflag:s21], $0x4000  }
0x4e: {  	[sflag:s21] =	ssyncset.done $0x0  }
0x4f: {  	[sflag:s21] =	ssyncadd.s32 $0xFFFFC000  }
0x50: {  	[spmem:s3] =	stream.indirect.scatter.add.f32 [tilespmem:s20], [sflag:$0x2], $0x80, s19, s19, $0xb8;
	[tilespmem:$0x11D80] =	vst v63  }
0x51: {  	_ =	swait.ge [sflag:s16], $0x4000  }
0x52: {  	[sflag:s16] =	ssyncset.done $0x0  }
0x53: {  	[sflag:s16] =	ssyncadd.s32 $0xFFFFC000  }
0x54: {  	[bflag:$0x0] =	sbarrier.arrive $0xFFFF  }
0x55: {  	[hbm:s8], [sflag:s7] =	dma.local [spmem:s15], $0x1380  }
0x56: {  	_ =	swait.ge [sflag:s16], $0x1380  }
0x57: {  	[sflag:s16] =	ssyncset.done $0x0  }
0x58: {  	[sflag:s16] =	ssyncadd.s32 $0xFFFFEC80  }
0x59: {  	s23 =	sshrl.u32 @p0 s6, $0x3;
	[bflag:$0x0] =	sbarrier.arrive @p0 $0xFFFF  }
0x5a: {  	[spmem:s23], [sflag:s7] =	dma.local @p0 [hbm:s5], $0x1380  }
0x5b: {  	s23 =	simm.s32 @p0 $0x2  }
0x5c: {  	_ =	swait.ge @p0 [sflag:s23], $0x1380  }
0x5d: {  	[sflag:s23] =	ssyncset.done @p0 $0x0  }
0x5e: {  	[sflag:s23] =	ssyncadd.s32 @p0 $0xFFFFEC80;
	s23 =	simm.s32 @!p0 $0x2  }
0x5f: {  	[hbm:s9], [sflag:s7] =	dma.local @!p0 [spmem:s17], $0x80  }
0x60: {  	_ =	swait.ge @!p0 [sflag:s23], $0x80  }
0x61: {  	[sflag:s23] =	ssyncset.done @!p0 $0x0  }
0x62: {  	[sflag:s23] =	ssyncadd.s32 @!p0 $0xFFFFFF80  }
0x63: {  	s24 =	sshrl.u32 @!p0 s6, $0x3;
	[bflag:$0x0] =	sbarrier.arrive @!p0 $0xFFFF  }
0x64: {  	[spmem:s24], [sflag:s7] =	dma.local @!p0 [hbm:s5], $0x1380  }
0x65: {  	_ =	swait.ge @!p0 [sflag:s23], $0x1380  }
0x66: {  	[sflag:s23] =	ssyncset.done @!p0 $0x0  }
0x67: {  	[sflag:s23] =	ssyncadd.s32 @!p0 $0xFFFFEC80  }
0x68: {  	[spmem:s17], [sflag:s7] =	dma.local @!p0 [hbm:s5], $0x100  }
0x69: {  	_ =	swait.ge @!p0 [sflag:s23], $0x100  }
0x6a: {  	[sflag:s23] =	ssyncset.done @!p0 $0x0  }
0x6b: {  	[sflag:s23] =	ssyncadd.s32 @!p0 $0xFFFFFF00  }
0x6c: {  	s31 =	sadd.s32 $0x0, s13;
	[bflag:$0x0] =	sbarrier.arrive $0xFFFF  }
0x6d: {  	[tilespmem:s19], [sflag:$0x2] =	stream.linear.gather [hbm4b:s31+s4], $0x80, $0x38;
	[tilespmem:$0x11D80] =	vst v63  }
0x6e: {  	_ =	swait.ge [sflag:s16], $0x80  }
0x6f: {  	[sflag:s16] =	ssyncset.done $0x0  }
0x70: {  	[sflag:s16] =	ssyncadd.s32 $0xFFFFFF80  }
0x71: {  	[spmem:s3] =	stream.indirect.scatter.add.f32 [tilespmem:s18], [sflag:$0x2], $0x80, s19, s19, $0xb8;
	[tilespmem:$0x11D80] =	vst v63  }
0x72: {  	_ =	swait.ge [sflag:s16], $0x4000  }
0x73: {  	s24 =	simm.s32 $0x20;
	s23 =	simm.s32 $0x10;
	[sflag:s16] =	ssyncset.done $0x0  }
.LBB2_4:
0x74: {  	s25 =	sadd.s32 s23, s13  }
0x75: {  	[sflag:s16] =	ssyncadd.s32 $0xFFFFC000;
	s23 =	smov.u32 s24;
	s26 =	sadd.s32 $0x10, s24  }
0x76: {  	[tilespmem:s19], [sflag:$0x2] =	stream.linear.gather [hbm4b:s25+s4], $0x80, $0x38;
	[tilespmem:$0x11D80] =	vst v63  }
0x77: {  	p1 =	sne.s32 s24, $0x9F0;
	_ =	swait.ge [sflag:s16], $0x80  }
.Ltmp1:
0x78: {  	[sflag:s16] =	ssyncset.done $0x0;
	(pc) =	sbr.rel @p1 .LBB2_4-.Ltmp1, $4  }
0x79: {  	[sflag:s16] =	ssyncadd.s32 $0xFFFFFF80  }
0x7a: {  	[spmem:s3] =	stream.indirect.scatter.add.f32 [tilespmem:s18], [sflag:$0x2], $0x80, s19, s19, $0xb8;
	[tilespmem:$0x11D80] =	vst v63  }
0x7b: {  	_ =	swait.ge [sflag:s16], $0x4000  }
0x7c: {  	s24 =	smov.u32 s26;
	[sflag:s16] =	ssyncset.done $0x0  }
0x7d: {  	s23 =	sadd.s32 s23, s13;
	[sflag:s16] =	ssyncadd.s32 $0xFFFFC000  }
0x7e: {  	[tilespmem:s19], [sflag:$0x2] =	stream.linear.gather [hbm4b:s23+s4], $0x80, $0x38;
	[tilespmem:$0x11D80] =	vst v63  }
0x7f: {  	_ =	swait.ge [sflag:s16], $0x80  }
0x80: {  	[sflag:s16] =	ssyncset.done $0x0  }
0x81: {  	[sflag:s16] =	ssyncadd.s32 $0xFFFFFF80  }
0x82: {  	[spmem:s3] =	stream.indirect.scatter.add.f32 [tilespmem:s18], [sflag:$0x2], $0x80, s19, s19, $0xb8;
	[tilespmem:$0x11D80] =	vst v63  }
0x83: {  	_ =	swait.ge [sflag:s16], $0x4000  }
0x84: {  	[sflag:s16] =	ssyncset.done $0x0  }
0x85: {  	[sflag:s16] =	ssyncadd.s32 $0xFFFFC000  }
0x86: {  	[bflag:$0x0] =	sbarrier.arrive $0xFFFF  }
0x87: {  	[hbm:s10], [sflag:s7] =	dma.local [spmem:s15], $0x1380  }
0x88: {  	s22 =	sadd.s32 $0x1, s22;
	_ =	swait.ge [sflag:s16], $0x1380  }
0x89: {  	p1 =	sne.s32 s22, s12;
	[sflag:s16] =	ssyncset.done $0x0  }
.Ltmp2:
0x8a: {  	s23 =	simm.s32 @!p0 $0x2;
	[sflag:s16] =	ssyncadd.s32 $0xFFFFEC80;
	(pc) =	sbr.rel @p1 .LBB2_1-.Ltmp2, $4  }
0x8b: {  	[hbm:s11], [sflag:s7] =	dma.local @!p0 [spmem:s17], $0x80  }
0x8c: {  	_ =	swait.ge @!p0 [sflag:s23], $0x80  }
0x8d: {  	[sflag:s23] =	ssyncset.done @!p0 $0x0  }
0x8e: {  	[sflag:s23] =	ssyncadd.s32 @!p0 $0xFFFFFF80  }
0x8f: {  	_ =	sfence.sel $0x180000  }
0x90: {  	[bflag:$0x0] =	sbarrier.arrive $0xFFFF  }
0x91: {  	_ =	strace $0x90000047  }
0x92: {  	s0 =	sadd.s32 @!p0 $0x100000, s2;
	[bflag:$0x2] =	sbarrier.arrive $0xFFFF  }
0x93: {  	[sflag:s0] =	ssyncadd.tile.s32 @!p0 $0x1;
	_ =	shalt  }
.Lfunc_end2:
_tile_overlayer_lowered:
.L_overlay_start_2:
0x94: {  	(tag) =	ssettag $0x2  }
0x95: {  	s0 =	rddreg [dreg:$0x0];
	s2 =	stileid.u32  }
0x96: {  	s1 =	rddreg [dreg:$0x1];
	p0 =	sne.s32 s2, $0x0  }
0x97: {  	s3 =	rddreg [dreg:$0x2];
	[bflag:$0x3] =	sbarrier.arrive $0xFFFF;
	s2 =	simm.s32 @!p0 $0x1C02  }
0x98: {  	[timem:s3], [sflag:s2] =	dma.local @!p0 [hbm:s0], s1  }
0x99: {  	s0 =	simm.s32 @!p0 $0x2  }
0x9a: {  	_ =	swait.ge @!p0 [sflag:s0], s1  }
0x9b: {  	s1 =	ssub.s32 @!p0 $0x0, s1;
	[sflag:s0] =	ssyncset.done @!p0 $0x0  }
0x9c: {  	[sflag:s0] =	ssyncadd.s32 @!p0 s1  }
0x9d: {  	[bflag:$0x3] =	sbarrier.arrive $0xFFFF  }
0x9e: {  	_ =	shalt  }

// kernel: kernel.13.cloned.1.call-start
scs
__scs_entry_jumppad:
0x0: {  	(pc) =	sbr.rel $0x88, $3  }
0x1: {  	(tag) =	ssettag $0x0;
	lr =	simm.s32 $0x1  }
0x2: {  	[smem:$0x3F95] =	sst lr;
	_ =	strace $0xD0000000  }
0x3: {  	_ = 	snop  }
0x4: {  	_ = 	snop  }
0x5: {  	_ = 	snop  }
0x6: {  	_ = 	snop  }
0x7: {  	_ = 	snop  }
__scs_overlays_trampoline_lowered:
0x8: {  	[smem:$0x3FA4] =	sst s0  }
0x9: {  	[smem:$0x3FA5] =	sst s1  }
0xa: {  	[smem:$0x3FA6] =	sst s2  }
0xb: {  	[smem:$0x3FA7] =	sst s3  }
0xc: {  	[smem:$0x3FA8] =	sst s4  }
0xd: {  	[smem:$0x3FA9] =	sst s5  }
0xe: {  	[smem:$0x3FAA] =	sst s6  }
0xf: {  	[smem:$0x3FAB] =	sst s7  }
0x10: {  	[smem:$0x3FAC] =	sst s8  }
0x11: {  	[smem:$0x3FAD] =	sst s9;
	s0 =	simm.s32 @!p0 $0x0  }
0x12: {  	s1 =	sld [smem:$0x3F93];
	s0 =	simm.s32 @p0 $0x1  }
0x13: {  	[smem:$0x3FAE] =	sst s0;
	s0 =	simm.s32 @!p1 $0x0  }
0x14: {  	s2 =	sld [smem:$0x3F92];
	s0 =	simm.s32 @p1 $0x1  }
0x15: {  	[smem:$0x3FAF] =	sst s0;
	s0 =	simm.s32 @!p2 $0x0  }
0x16: {  	s3 =	sld [smem:$0x3FDB];
	s0 =	simm.s32 @p2 $0x1  }
0x17: {  	s4 =	simm.s32 $0x1BF5;
	[smem:$0x3FB1] =	sst s0  }
0x18: {  	s0 =	sld [smem:$0x3F94];
	_ =	swait.ge [sflag:s4], $0x0  }
0x19: {  	s7 =	sld [smem:$0x3F95]  }
0x1a: {  	s8 =	sadd.s32 $0xFFFFE003, lr  }
0x1b: {  	s9 =	sadd.s32 $0xFFFFFEF7, lr;
	s5 =	simm.s32 $0xFFFFFFFF;
	p2 =	slt.u32 s8, $0xFFFFF086  }
0x1c: {  	p1 =	slt.u32 s9, $0xF7A;
	s5 =	simm.s32 @!p2 $0x0  }
0x1d: {  	s5 =	simm.s32 @p1 $0x1;
	p0 =	seq.s32 s7, s2  }
0x1e: {  	s7 =	smul.u32 @!p0 $0xF7A, s2;
	p2 =	seq.s32 @!p0 s5, $0x0  }
0x1f: {  	s9 =	smul.u32 $0xF7A, s1;
	s8 =	simm.s32 @!p0 $0x1BF5;
	p2 =	por !p2, p0  }
0x20: {  	[sflag:s8] =	ssyncset.s32 @!p0 $0xFFFFF086;
	s6 =	sadd.s32 @!p0 s3, s7;
	s7 =	simm.s32 @!p0 $0x108  }
0x21: {  	s3 =	sadd.s32 s3, s9;
	s6 =	sadd.s32 @!p0 $0x88, s6;
	s7 =	simm.s32 @p2 $0x1082  }
0x22: {  	[simem:s7], [sflag:s8] =	dma.local @!p0 [hbm:s6], $0xF7A  }
0x23: {  	s9 =	sor.u32 $0xD0000000, s2;
	s6 =	simm.s32 $0x108;
	_ =	swait.ge @!p0 [sflag:s8], $0x0  }
0x24: {  	s3 =	sadd.s32 $0x88, s3;
	s6 =	simm.s32 @!p1 $0x1082;
	[sflag:s4] =	ssyncset.s32 $0xFFFFF086  }
0x25: {  	[simem:s6], [sflag:s4] =	dma.local [hbm:s3], $0xF7A  }
0x26: {  	[smem:$0x3F95] =	sst s1;
	(tag) =	ssettag s2;
	_ =	strace s9  }
0x27: {  	s1 =	sld [smem:$0x3FA5]  }
0x28: {  	s2 =	sld [smem:$0x3FA6]  }
0x29: {  	s4 =	sld [smem:$0x3FA8]  }
0x2a: {  	p0 =	seq.s32 s5, $0x0;
	s5 =	sld [smem:$0x3FA9]  }
0x2b: {  	s6 =	sld [smem:$0x3FAA]  }
0x2c: {  	s7 =	sld [smem:$0x3FAB]  }
0x2d: {  	s3 =	simm.s32 $0x108;
	s8 =	sld [smem:$0x3FAC]  }
0x2e: {  	s3 =	simm.s32 @!p0 $0x1082;
	s9 =	sld [smem:$0x3FAD]  }
0x2f: {  	lr =	sadd.s32 s0, s3;
	s0 =	sld [smem:$0x3FA4]  }
0x30: {  	s3 =	sld [smem:$0x3FA7]  }
0x31: {  	[smem:$0x3FB0] =	sst s10  }
0x32: {  	s10 =	sld [smem:$0x3FAE];
	_ =	sdelay $0x3  }
0x33: {  	p0 =	seq.s32 s10, $0x1;
	s10 =	sld [smem:$0x3FB0];
	_ =	sdelay $0x3  }
0x34: {  	[smem:$0x3FB0] =	sst s10  }
0x35: {  	s10 =	sld [smem:$0x3FAF];
	_ =	sdelay $0x3  }
0x36: {  	p1 =	seq.s32 s10, $0x1;
	s10 =	sld [smem:$0x3FB0];
	_ =	sdelay $0x3  }
0x37: {  	[smem:$0x3FB0] =	sst s10  }
0x38: {  	s10 =	sld [smem:$0x3FB1]  }
0x39: {  	_ = 	snop;
	(pc) =	sbr.ind lr, $3  }
0x3a: {  	_ = 	snop  }
0x3b: {  	_ = 	snop  }
0x3c: {  	p2 =	seq.s32 s10, $0x1;
	s10 =	sld [smem:$0x3FB0]  }
0x3d: {  	_ =	shalt  }
0x3e: {  	_ =	shalt  }
0x3f: {  	_ =	shalt  }
0x40: {  	_ =	shalt  }
0x41: {  	_ =	shalt  }
0x42: {  	_ =	shalt  }
0x43: {  	_ =	shalt  }
0x44: {  	_ =	shalt  }
0x45: {  	_ =	shalt  }
0x46: {  	_ =	shalt  }
0x47: {  	_ =	shalt  }
0x48: {  	_ =	shalt  }
0x49: {  	_ =	shalt  }
0x4a: {  	_ =	shalt  }
0x4b: {  	_ =	shalt  }
0x4c: {  	_ =	shalt  }
0x4d: {  	_ =	shalt  }
0x4e: {  	_ =	shalt  }
0x4f: {  	_ =	shalt  }
0x50: {  	_ =	shalt  }
0x51: {  	_ =	shalt  }
0x52: {  	_ =	shalt  }
0x53: {  	_ =	shalt  }
0x54: {  	_ =	shalt  }
0x55: {  	_ =	shalt  }
0x56: {  	_ =	shalt  }
0x57: {  	_ =	shalt  }
0x58: {  	_ =	shalt  }
0x59: {  	_ =	shalt  }
0x5a: {  	_ =	shalt  }
0x5b: {  	_ =	shalt  }
0x5c: {  	_ =	shalt  }
0x5d: {  	_ =	shalt  }
0x5e: {  	_ =	shalt  }
0x5f: {  	_ =	shalt  }
0x60: {  	_ =	shalt  }
0x61: {  	_ =	shalt  }
0x62: {  	_ =	shalt  }
0x63: {  	_ =	shalt  }
0x64: {  	_ =	shalt  }
0x65: {  	_ =	shalt  }
0x66: {  	_ =	shalt  }
0x67: {  	_ =	shalt  }
0x68: {  	_ =	shalt  }
0x69: {  	_ =	shalt  }
0x6a: {  	_ =	shalt  }
0x6b: {  	_ =	shalt  }
0x6c: {  	_ =	shalt  }
0x6d: {  	_ =	shalt  }
0x6e: {  	_ =	shalt  }
0x6f: {  	_ =	shalt  }
0x70: {  	_ =	shalt  }
0x71: {  	_ =	shalt  }
0x72: {  	_ =	shalt  }
0x73: {  	_ =	shalt  }
0x74: {  	_ =	shalt  }
0x75: {  	_ =	shalt  }
0x76: {  	_ =	shalt  }
0x77: {  	_ =	shalt  }
0x78: {  	_ =	shalt  }
0x79: {  	_ =	shalt  }
0x7a: {  	_ =	shalt  }
0x7b: {  	_ =	shalt  }
0x7c: {  	_ =	shalt  }
0x7d: {  	_ =	shalt  }
0x7e: {  	_ =	shalt  }
0x7f: {  	_ =	shalt  }
0x80: {  	_ =	shalt  }
0x81: {  	_ =	shalt  }
0x82: {  	_ =	shalt  }
0x83: {  	_ =	shalt  }
0x84: {  	_ =	shalt  }
0x85: {  	_ =	shalt  }
0x86: {  	_ =	shalt  }
0x87: {  	_ =	shalt  }
.Lfunc_end0:
.L_simem_size_0:
called_computation.1_lowered:
.L_overlay_start_0:
0x88: {  	s2 =	sld [smem:$0x3FD9]  }
0x89: {  	s3 =	sld [smem:$0x3FFE];
	_ =	sdelay $0x1  }
0x8a: {  	s1 =	srdreg.scid  }
0x8b: {  	s0 =	sand.u32 $0x1, s1  }
0x8c: {  	s14 =	sshll.u32 s0, $0xA;
	s2 =	sadd.s32 s3, s2  }
0x8d: {  	s2 =	sadd.s32 s2, s14  }
0x8e: {  	[smem:$0x3FBC] =	sst s2  }
0x8f: {  	_ = 	snop  }
0x90: {  	s2 =	sld [smem:$0x3FD0];
	_ =	sdelay $0x2  }
0x91: {  	s15 =	simm.s32 $0xA;
	s4 =	simm.s32 $0x10  }
0x92: {  	[smem:s4], [sflag:s15] =	dma.local [hbm:s2], $0x1  }
0x93: {  	_ =	swait.eq [sflag:s15], $0x1  }
0x94: {  	[sflag:s15] =	ssyncset.done $0x0  }
0x95: {  	[sflag:s15] =	ssyncadd.s32 $0xFFFFFFFF  }
0x96: {  	s16 =	sld [smem:$0x12];
	(tm) =	ssettm $0x1  }
0x97: {  	s17 =	sld [smem:$0x3FFB];
	_ =	sdelay $0x3  }
0x98: {  	_ =	strace s17  }
0x99: {  	s3 =	sld [smem:$0x3FFC];
	_ =	sdelay $0x3  }
0x9a: {  	_ =	strace s3  }
0x9b: {  	s3 =	sld [smem:$0x3FFD];
	_ =	sdelay $0x3  }
0x9c: {  	_ =	strace s3  }
0x9d: {  	_ =	strace $0x8FFFFFFF  }
0x9e: {  	s18 =	sld [smem:$0x3FDB];
	_ =	sdelay $0x1  }
0x9f: {  	s19 =	simm.s32 $_scs_section_size  }
0xa0: {  	s5 =	simm.s32 $_size__tile_overlayer_lowered;
	s6 =	simm.s32 $_tile_overlayer_lowered  }
0xa1: {  	s22 =	simm.s32 $0x1BFF;
	s21 =	sshll.u32 s6, $0x1;
	s3 =	sadd.s32 s19, s18  }
0xa2: {  	s7 =	simm.s32 $0x0;
	s20 =	sshll.u32 s5, $0x1;
	s5 =	sadd.s32 s21, s3  }
0xa3: {  	[timem:s7], [sflag:s22] =	dma.local [hbm:s5], s20  }
0xa4: {  	_ =	swait.ge [sflag:s22], s20  }
0xa5: {  	s4 =	ssub.s32 $0x0, s20;
	[sflag:s22] =	ssyncset.done $0x0  }
0xa6: {  	[sflag:s22] =	ssyncadd.s32 s4;
	_ =	sdelay $0x1  }
0xa7: {  	s23 =	simm.s32 $0x1B8B  }
0xa8: {  	_ =	swait.ge [sflag:s23], $0x1  }
0xa9: {  	[sflag:s23] =	ssyncset.done $0x0  }
0xaa: {  	s25 =	simm.s32 $0x1B8E;
	s24 =	sld [smem:$0x3FFE];
	[sflag:s23] =	ssyncadd.s32 $0xFFFFFFFF  }
0xab: {  	s26 =	simm.s32 $execute0_lowered;
	[smem:$0x3FD2] =	sst s25  }
0xac: {  	s5 =	sshll.u32 s26, $0x1;
	_ =	strace $0x80000049;
	[dreg:$0x1] =	wrdreg $0xFFFFFFFF  }
0xad: {  	s28 =	simm.s32 $_size_execute0_lowered;
	s3 =	sadd.s32 s3, s5;
	[dreg:$0x0] =	wrdreg $0x0  }
0xae: {  	s5 =	sshll.u32 s28, $0x1;
	[dreg:$0x2] =	wrdreg s3  }
0xaf: {  	[dreg:$0x3] =	wrdreg s5  }
0xb0: {  	[dreg:$0x4] =	wrdreg $0xC0  }
0xb1: {  	_ =	task [dreg:s7], $0x5FFFF  }
0xb2: {  	[dreg:$0x1] =	wrdreg $0xFFFFFFFF  }
0xb3: {  	[dreg:$0x0] =	wrdreg $0x60  }
0xb4: {  	[dreg:$0x2] =	wrdreg s24  }
0xb5: {  	[dreg:$0x3] =	wrdreg s16  }
0xb6: {  	[dreg:$0x4] =	wrdreg $0x41000  }
0xb7: {  	[dreg:$0x5] =	wrdreg $0x9  }
0xb8: {  	_ =	task.clear_ibuf [dreg:s7], $0x6FFFF;
	_ =	strace $0x90000049  }
0xb9: {  	s29 =	simm.s32 $0x9;
	_ =	strace $0x8000004B  }
0xba: {  	_ =	swait.ge [sflag:s29], $0x1  }
0xbb: {  	[sflag:s29] =	ssyncadd.s32 $0xFFFFFFFF  }
0xbc: {  	_ =	strace $0x9000004B  }
0xbd: {  	_ =	sfence  }
0xbe: {  	s30 =	sld [smem:$0x0];
	_ =	sdelay $0x2  }
0xbf: {  	s31 =	sshll.u32 s1, $0xD;
	s1 =	sshrl.u32 s1, $0x2  }
0xc0: {  	s3 =	sand.u32 $0x4000, s31;
	s1 =	sadd.s32 s1, s30  }
0xc1: {  	s0 =	sor.u32 s3, s0;
	s1 =	sshll.u32 s1, $0x11  }
0xc2: {  	s0 =	sor.u32 s1, s0  }
0xc3: {  	s0 =	sadd.s32 $0x8F2B, s0  }
0xc4: {  	[sflag:s0] =	ssyncadd.remote.s32 $0x1  }
0xc5: {  	_ =	sfence.sel $0xFFFF  }
0xc6: {  	[dreg:$0x0] =	wrdreg $0xFFFFFFFF;
	(pc) =	sbr.abs _section_cstart, $3  }
0xc7: {  	[dreg:$0x1] =	wrdreg $0xFFFFFFFF  }
0xc8: {  	_ =	task.clear_ibuf [dreg:s7], $0x2FFFF;
	_ =	strace $0x9FFFFFFF  }
0xc9: {  	(tm) =	ssettm $0x7FFFFFFF  }
tec
execute0_lowered:
.L_overlay_start_1:
0x0: {  	(tag) =	ssettag $0x1  }
0x1: {  	s5 =	rddreg [dreg:$0x0]  }
0x2: {  	s1 =	srdreg.scid;
	s0 =	rddreg [dreg:$0x1]  }
0x3: {  	s15 =	stileid.u32;
	s2 =	rddreg [dreg:$0x2];
	s3 =	simm.s32 $0x0  }
0x4: {  	s16 =	simm.s32 $0x2;
	s18 =	simm.s32 $0x80;
	s7 =	smul.u32 $0x5000, s15  }
0x5: {  	s19 =	simm.s32 $0x100;
	s20 =	simm.s32 $0x1;
	s25 =	smul.u32 $0xA00, s15  }
0x6: {  	s6 =	sand.u32 $0x1, s1;
	s1 =	rddreg [dreg:$0x3];
	s26 =	smul.u32 $0x138, s15  }
0x7: {  	s21 =	simm.s32 $0x0;
	[smem:$0x7FF] =	sst s3;
	s9 =	smul.u32 $0x27000, s15  }
0x8: {  	s10 =	sadd.s32 $0x54400, s5;
	s31 =	sshll.u32 s15, $0x6;
	s4 =	smul.u32 $0x50000, s6  }
0x9: {  	s17 =	sadd.s32 $0x9C000, s2;
	p0 =	sne.s32 s15, $0x0;
	s11 =	smul.u32 $0x2710, s6  }
0xa: {  	_ =	strace $0x8000004A;
	s8 =	ssub.s32 $0x2, s6;
	s30 =	smul.u32 $0x138800, s6  }
0xb: {  	s6 =	sor.u32 $0x1C02, s31;
	s17 =	sshrl.u32 @!p0 s17, $0x3;
	s14 =	sadd.s32 s25, s5  }
0xc: {  	s28 =	sshrl.u32 s8, $0x1;
	s29 =	sshrl.u32 s9, $0x2;
	s4 =	sadd.s32 s7, s4  }
0xd: {  	s12 =	ssub.s32 s8, s28;
	s7 =	sadd.s32 s26, s11;
	s8 =	sshrl.u32 s30, $0x3  }
0xe: {  	s4 =	sshrl.u32 s4, $0x3;
	s7 =	sshll.u32 s7, $0x4;
	s11 =	smax.u32 s12, $0x1  }
0xf: {  	s12 =	sadd.s32 $0x2A00, s14;
	s14 =	sadd.s32 $0xCA00, s14;
	s13 =	sadd.s32 s4, s5  }
0x10: {  	s4 =	sadd.s32 $0x16A00, s5;
	s7 =	sadd.s32 s10, s7;
	s10 =	sadd.s32 s10, s8  }
0x11: {  	s5 =	sadd.s32 s29, s2;
	s8 =	sadd.s32 $0x13800, s10;
	s9 =	sadd.s32 $0x13880, s7  }
0x12: {  	s10 =	sadd.s32 $0x27080, s10;
	s13 =	sadd.s32 $0x40400, s13;
	s15 =	sshrl.u32 s5, $0x3  }
.LBB2_1:
0x13: {  	[spmem:s15], [sflag:s6] =	dma.local [hbm:s4], $0x1380  }
0x14: {  	_ =	swait.ge [sflag:s16], $0x1380  }
0x15: {  	[sflag:s16] =	ssyncset.done $0x0  }
0x16: {  	s22 =	simm.s32 @!p0 $0x2;
	[sflag:s16] =	ssyncadd.s32 $0xFFFFEC80  }
0x17: {  	[spmem:s17], [sflag:s6] =	dma.local @!p0 [hbm:s4], $0x100  }
0x18: {  	_ =	swait.ge @!p0 [sflag:s22], $0x100  }
0x19: {  	[sflag:s22] =	ssyncset.done @!p0 $0x0  }
0x1a: {  	[sflag:s22] =	ssyncadd.s32 @!p0 $0xFFFFFF00  }
0x1b: {  	s30 =	sadd.s32 $0x0, s13;
	[bflag:$0x0] =	sbarrier.arrive $0xFFFF  }
0x1c: {  	[tilespmem:s3], [sflag:$0x2] =	stream.linear.gather [hbm4b:s30+s3], $0x80, $0x38;
	[tilespmem:$0xDD80] =	vst v63  }
0x1d: {  	_ =	swait.ge [sflag:s16], $0x80  }
0x1e: {  	[sflag:s16] =	ssyncset.done $0x0  }
0x1f: {  	s31 =	sadd.s32 $0x0, s12;
	[sflag:s16] =	ssyncadd.s32 $0xFFFFFF80  }
0x20: {  	[tilespmem:s18], [sflag:$0x2] =	stream.linear.gather [hbm4b:s31+s3], $0x80, $0x38;
	[tilespmem:$0xDD80] =	vst v63  }
0x21: {  	_ =	swait.ge [sflag:s16], $0x80  }
0x22: {  	[sflag:s16] =	ssyncset.done $0x0  }
0x23: {  	[sflag:s16] =	ssyncadd.s32 $0xFFFFFF80  }
0x24: {  	[tilespmem:s19], [sflag:$0x1] =	stream.indirect.gather [hbm4b:s0+s18], $0x80, s3, s18, $0xb8;
	[tilespmem:$0xDD80] =	vst v63  }
0x25: {  	_ =	swait.ge [sflag:s20], $0x4000  }
0x26: {  	[sflag:s20] =	ssyncset.done $0x0  }
0x27: {  	[sflag:s20] =	ssyncadd.s32 $0xFFFFC000  }
0x28: {  	[spmem:s2] =	stream.indirect.scatter.add.f32 [tilespmem:s19], [sflag:$0x2], $0x80, s18, s18, $0xb8;
	[tilespmem:$0xDD80] =	vst v63  }
0x29: {  	_ =	swait.ge [sflag:s16], $0x4000  }
0x2a: {  	s23 =	simm.s32 $0x20;
	s22 =	simm.s32 $0x10;
	[sflag:s16] =	ssyncset.done $0x0  }
.LBB2_2:
0x2b: {  	s24 =	sadd.s32 s22, s13  }
0x2c: {  	[sflag:s16] =	ssyncadd.s32 $0xFFFFC000;
	s25 =	smov.u32 s23;
	s26 =	sadd.s32 $0x10, s23  }
0x2d: {  	[tilespmem:s3], [sflag:$0x2] =	stream.linear.gather [hbm4b:s24+s3], $0x80, $0x38;
	[tilespmem:$0xDD80] =	vst v63  }
0x2e: {  	p1 =	sne.s32 s23, $0x9F0;
	_ =	swait.ge [sflag:s16], $0x80  }
0x2f: {  	[sflag:s16] =	ssyncset.done $0x0  }
0x30: {  	s23 =	sadd.s32 s22, s12;
	s22 =	smov.u32 s25;
	[sflag:s16] =	ssyncadd.s32 $0xFFFFFF80  }
0x31: {  	[tilespmem:s18], [sflag:$0x2] =	stream.linear.gather [hbm4b:s23+s3], $0x80, $0x38;
	[tilespmem:$0xDD80] =	vst v63  }
0x32: {  	_ =	swait.ge [sflag:s16], $0x80  }
0x33: {  	[sflag:s16] =	ssyncset.done $0x0  }
0x34: {  	[sflag:s16] =	ssyncadd.s32 $0xFFFFFF80  }
0x35: {  	[tilespmem:s19], [sflag:$0x1] =	stream.indirect.gather [hbm4b:s0+s18], $0x80, s3, s18, $0xb8;
	[tilespmem:$0xDD80] =	vst v63  }
0x36: {  	_ =	swait.ge [sflag:s20], $0x4000  }
.Ltmp0:
0x37: {  	[sflag:s20] =	ssyncset.done $0x0;
	(pc) =	sbr.rel @p1 .LBB2_2-.Ltmp0, $4  }
0x38: {  	[sflag:s20] =	ssyncadd.s32 $0xFFFFC000  }
0x39: {  	[spmem:s2] =	stream.indirect.scatter.add.f32 [tilespmem:s19], [sflag:$0x2], $0x80, s18, s18, $0xb8;
	[tilespmem:$0xDD80] =	vst v63  }
0x3a: {  	_ =	swait.ge [sflag:s16], $0x4000  }
0x3b: {  	s23 =	smov.u32 s26;
	[sflag:s16] =	ssyncset.done $0x0  }
0x3c: {  	s23 =	sadd.s32 s22, s13;
	[sflag:s16] =	ssyncadd.s32 $0xFFFFC000  }
0x3d: {  	[tilespmem:s3], [sflag:$0x2] =	stream.linear.gather [hbm4b:s23+s3], $0x80, $0x38;
	[tilespmem:$0xDD80] =	vst v63  }
0x3e: {  	_ =	swait.ge [sflag:s16], $0x80  }
0x3f: {  	[sflag:s16] =	ssyncset.done $0x0  }
0x40: {  	s29 =	sadd.s32 s22, s12;
	[sflag:s16] =	ssyncadd.s32 $0xFFFFFF80  }
0x41: {  	[tilespmem:s18], [sflag:$0x2] =	stream.linear.gather [hbm4b:s29+s3], $0x80, $0x38;
	[tilespmem:$0xDD80] =	vst v63  }
0x42: {  	_ =	swait.ge [sflag:s16], $0x80  }
0x43: {  	[sflag:s16] =	ssyncset.done $0x0  }
0x44: {  	[sflag:s16] =	ssyncadd.s32 $0xFFFFFF80  }
0x45: {  	[tilespmem:s19], [sflag:$0x1] =	stream.indirect.gather [hbm4b:s0+s18], $0x80, s3, s18, $0xb8;
	[tilespmem:$0xDD80] =	vst v63  }
0x46: {  	_ =	swait.ge [sflag:s20], $0x4000  }
0x47: {  	[sflag:s20] =	ssyncset.done $0x0  }
0x48: {  	[sflag:s20] =	ssyncadd.s32 $0xFFFFC000  }
0x49: {  	[spmem:s2] =	stream.indirect.scatter.add.f32 [tilespmem:s19], [sflag:$0x2], $0x80, s18, s18, $0xb8;
	[tilespmem:$0xDD80] =	vst v63  }
0x4a: {  	_ =	swait.ge [sflag:s16], $0x4000  }
0x4b: {  	[sflag:s16] =	ssyncset.done $0x0  }
0x4c: {  	[sflag:s16] =	ssyncadd.s32 $0xFFFFC000  }
0x4d: {  	[bflag:$0x0] =	sbarrier.arrive $0xFFFF  }
0x4e: {  	[hbm:s7], [sflag:s6] =	dma.local [spmem:s15], $0x1380  }
0x4f: {  	_ =	swait.ge [sflag:s16], $0x1380  }
0x50: {  	[sflag:s16] =	ssyncset.done $0x0  }
0x51: {  	[sflag:s16] =	ssyncadd.s32 $0xFFFFEC80  }
0x52: {  	s22 =	sshrl.u32 @p0 s5, $0x3;
	[bflag:$0x0] =	sbarrier.arrive @p0 $0xFFFF  }
0x53: {  	[spmem:s22], [sflag:s6] =	dma.local @p0 [hbm:s4], $0x1380  }
0x54: {  	s22 =	simm.s32 @p0 $0x2  }
0x55: {  	_ =	swait.ge @p0 [sflag:s22], $0x1380  }
0x56: {  	[sflag:s22] =	ssyncset.done @p0 $0x0  }
0x57: {  	[sflag:s22] =	ssyncadd.s32 @p0 $0xFFFFEC80;
	s22 =	simm.s32 @!p0 $0x2  }
0x58: {  	[hbm:s8], [sflag:s6] =	dma.local @!p0 [spmem:s17], $0x80  }
0x59: {  	_ =	swait.ge @!p0 [sflag:s22], $0x80  }
0x5a: {  	[sflag:s22] =	ssyncset.done @!p0 $0x0  }
0x5b: {  	[sflag:s22] =	ssyncadd.s32 @!p0 $0xFFFFFF80  }
0x5c: {  	s23 =	sshrl.u32 @!p0 s5, $0x3;
	[bflag:$0x0] =	sbarrier.arrive @!p0 $0xFFFF  }
0x5d: {  	[spmem:s23], [sflag:s6] =	dma.local @!p0 [hbm:s4], $0x1380  }
0x5e: {  	_ =	swait.ge @!p0 [sflag:s22], $0x1380  }
0x5f: {  	[sflag:s22] =	ssyncset.done @!p0 $0x0  }
0x60: {  	[sflag:s22] =	ssyncadd.s32 @!p0 $0xFFFFEC80  }
0x61: {  	[spmem:s17], [sflag:s6] =	dma.local @!p0 [hbm:s4], $0x100  }
0x62: {  	_ =	swait.ge @!p0 [sflag:s22], $0x100  }
0x63: {  	[sflag:s22] =	ssyncset.done @!p0 $0x0  }
0x64: {  	[sflag:s22] =	ssyncadd.s32 @!p0 $0xFFFFFF00  }
0x65: {  	s30 =	sadd.s32 $0x0, s13;
	[bflag:$0x0] =	sbarrier.arrive $0xFFFF  }
0x66: {  	[tilespmem:s3], [sflag:$0x2] =	stream.linear.gather [hbm4b:s30+s3], $0x80, $0x38;
	[tilespmem:$0xDD80] =	vst v63  }
0x67: {  	_ =	swait.ge [sflag:s16], $0x80  }
0x68: {  	[sflag:s16] =	ssyncset.done $0x0  }
0x69: {  	s31 =	sadd.s32 $0x0, s14;
	[sflag:s16] =	ssyncadd.s32 $0xFFFFFF80  }
0x6a: {  	[tilespmem:s18], [sflag:$0x2] =	stream.linear.gather [hbm4b:s31+s3], $0x80, $0x38;
	[tilespmem:$0xDD80] =	vst v63  }
0x6b: {  	_ =	swait.ge [sflag:s16], $0x80  }
0x6c: {  	[sflag:s16] =	ssyncset.done $0x0  }
0x6d: {  	[sflag:s16] =	ssyncadd.s32 $0xFFFFFF80  }
0x6e: {  	[tilespmem:s19], [sflag:$0x1] =	stream.indirect.gather [hbm4b:s0+s18], $0x80, s3, s18, $0xb8;
	[tilespmem:$0xDD80] =	vst v63  }
0x6f: {  	_ =	swait.ge [sflag:s20], $0x4000  }
0x70: {  	[sflag:s20] =	ssyncset.done $0x0  }
0x71: {  	[sflag:s20] =	ssyncadd.s32 $0xFFFFC000  }
0x72: {  	[spmem:s2] =	stream.indirect.scatter.add.f32 [tilespmem:s19], [sflag:$0x2], $0x80, s18, s18, $0xb8;
	[tilespmem:$0xDD80] =	vst v63  }
0x73: {  	_ =	swait.ge [sflag:s16], $0x4000  }
0x74: {  	s23 =	simm.s32 $0x20;
	s22 =	simm.s32 $0x10;
	[sflag:s16] =	ssyncset.done $0x0  }
.LBB2_4:
0x75: {  	s24 =	sadd.s32 s22, s13  }
0x76: {  	[sflag:s16] =	ssyncadd.s32 $0xFFFFC000;
	s25 =	smov.u32 s23;
	s26 =	sadd.s32 $0x10, s23  }
0x77: {  	[tilespmem:s3], [sflag:$0x2] =	stream.linear.gather [hbm4b:s24+s3], $0x80, $0x38;
	[tilespmem:$0xDD80] =	vst v63  }
0x78: {  	p1 =	sne.s32 s23, $0x9F0;
	_ =	swait.ge [sflag:s16], $0x80  }
0x79: {  	[sflag:s16] =	ssyncset.done $0x0  }
0x7a: {  	s23 =	sadd.s32 s22, s14;
	s22 =	smov.u32 s25;
	[sflag:s16] =	ssyncadd.s32 $0xFFFFFF80  }
0x7b: {  	[tilespmem:s18], [sflag:$0x2] =	stream.linear.gather [hbm4b:s23+s3], $0x80, $0x38;
	[tilespmem:$0xDD80] =	vst v63  }
0x7c: {  	_ =	swait.ge [sflag:s16], $0x80  }
0x7d: {  	[sflag:s16] =	ssyncset.done $0x0  }
0x7e: {  	[sflag:s16] =	ssyncadd.s32 $0xFFFFFF80  }
0x7f: {  	[tilespmem:s19], [sflag:$0x1] =	stream.indirect.gather [hbm4b:s0+s18], $0x80, s3, s18, $0xb8;
	[tilespmem:$0xDD80] =	vst v63  }
0x80: {  	_ =	swait.ge [sflag:s20], $0x4000  }
.Ltmp1:
0x81: {  	[sflag:s20] =	ssyncset.done $0x0;
	(pc) =	sbr.rel @p1 .LBB2_4-.Ltmp1, $4  }
0x82: {  	[sflag:s20] =	ssyncadd.s32 $0xFFFFC000  }
0x83: {  	[spmem:s2] =	stream.indirect.scatter.add.f32 [tilespmem:s19], [sflag:$0x2], $0x80, s18, s18, $0xb8;
	[tilespmem:$0xDD80] =	vst v63  }
0x84: {  	_ =	swait.ge [sflag:s16], $0x4000  }
0x85: {  	s23 =	smov.u32 s26;
	[sflag:s16] =	ssyncset.done $0x0  }
0x86: {  	s23 =	sadd.s32 s22, s13;
	[sflag:s16] =	ssyncadd.s32 $0xFFFFC000  }
0x87: {  	[tilespmem:s3], [sflag:$0x2] =	stream.linear.gather [hbm4b:s23+s3], $0x80, $0x38;
	[tilespmem:$0xDD80] =	vst v63  }
0x88: {  	_ =	swait.ge [sflag:s16], $0x80  }
0x89: {  	[sflag:s16] =	ssyncset.done $0x0  }
0x8a: {  	s31 =	sadd.s32 s22, s14;
	[sflag:s16] =	ssyncadd.s32 $0xFFFFFF80  }
0x8b: {  	[tilespmem:s18], [sflag:$0x2] =	stream.linear.gather [hbm4b:s31+s3], $0x80, $0x38;
	[tilespmem:$0xDD80] =	vst v63  }
0x8c: {  	_ =	swait.ge [sflag:s16], $0x80  }
0x8d: {  	[sflag:s16] =	ssyncset.done $0x0  }
0x8e: {  	[sflag:s16] =	ssyncadd.s32 $0xFFFFFF80  }
0x8f: {  	[tilespmem:s19], [sflag:$0x1] =	stream.indirect.gather [hbm4b:s0+s18], $0x80, s3, s18, $0xb8;
	[tilespmem:$0xDD80] =	vst v63  }
0x90: {  	_ =	swait.ge [sflag:s20], $0x4000  }
0x91: {  	[sflag:s20] =	ssyncset.done $0x0  }
0x92: {  	[sflag:s20] =	ssyncadd.s32 $0xFFFFC000  }
0x93: {  	[spmem:s2] =	stream.indirect.scatter.add.f32 [tilespmem:s19], [sflag:$0x2], $0x80, s18, s18, $0xb8;
	[tilespmem:$0xDD80] =	vst v63  }
0x94: {  	_ =	swait.ge [sflag:s16], $0x4000  }
0x95: {  	[sflag:s16] =	ssyncset.done $0x0  }
0x96: {  	[sflag:s16] =	ssyncadd.s32 $0xFFFFC000  }
0x97: {  	[bflag:$0x0] =	sbarrier.arrive $0xFFFF  }
0x98: {  	[hbm:s9], [sflag:s6] =	dma.local [spmem:s15], $0x1380  }
0x99: {  	_ =	swait.ge [sflag:s16], $0x1380  }
0x9a: {  	s21 =	sadd.s32 $0x1, s21;
	[sflag:s16] =	ssyncset.done $0x0  }
0x9b: {  	s22 =	simm.s32 @!p0 $0x2;
	p1 =	sne.s32 s21, s11;
	[sflag:s16] =	ssyncadd.s32 $0xFFFFEC80  }
0x9c: {  	[hbm:s10], [sflag:s6] =	dma.local @!p0 [spmem:s17], $0x80  }
.Ltmp2:
0x9d: {  	_ =	swait.ge @!p0 [sflag:s22], $0x80;
	(pc) =	sbr.rel @p1 .LBB2_1-.Ltmp2, $3  }
0x9e: {  	[sflag:s22] =	ssyncset.done @!p0 $0x0  }
0x9f: {  	[sflag:s22] =	ssyncadd.s32 @!p0 $0xFFFFFF80  }
0xa0: {  	[bflag:$0x0] =	sbarrier.arrive $0xFFFF;
	_ =	sdelay $0x1  }
0xa1: {  	_ =	sfence.sel $0x180000  }
0xa2: {  	[bflag:$0x0] =	sbarrier.arrive $0xFFFF  }
0xa3: {  	_ =	strace $0x9000004A  }
0xa4: {  	s0 =	sadd.s32 @!p0 $0x100000, s1;
	[bflag:$0x2] =	sbarrier.arrive $0xFFFF  }
0xa5: {  	[sflag:s0] =	ssyncadd.tile.s32 @!p0 $0x1;
	_ =	shalt  }
.Lfunc_end2:
_tile_overlayer_lowered:
.L_overlay_start_2:
0xa6: {  	(tag) =	ssettag $0x2  }
0xa7: {  	s0 =	rddreg [dreg:$0x0];
	s2 =	stileid.u32  }
0xa8: {  	s1 =	rddreg [dreg:$0x1];
	p0 =	sne.s32 s2, $0x0  }
0xa9: {  	s3 =	rddreg [dreg:$0x2];
	[bflag:$0x3] =	sbarrier.arrive $0xFFFF;
	s2 =	simm.s32 @!p0 $0x1C02  }
0xaa: {  	[timem:s3], [sflag:s2] =	dma.local @!p0 [hbm:s0], s1  }
0xab: {  	s0 =	simm.s32 @!p0 $0x2  }
0xac: {  	_ =	swait.ge @!p0 [sflag:s0], s1  }
0xad: {  	s1 =	ssub.s32 @!p0 $0x0, s1;
	[sflag:s0] =	ssyncset.done @!p0 $0x0  }
0xae: {  	[sflag:s0] =	ssyncadd.s32 @!p0 s1  }
0xaf: {  	[bflag:$0x3] =	sbarrier.arrive $0xFFFF  }
0xb0: {  	_ =	shalt  }

</sc_bundles>
